<compile_context>
chip_gen: v7x
topology: tpu7x:2x2x1
jax: 0.10.2.dev20260603
libtpu: 0.0.44.dev20260713+nightly
codegen_flags: <defaults>
</compile_context>

<pallas_src>
import functools

import jax
import jax.numpy as jnp
from jax import lax
from jax.experimental import pallas as pl
from jax.experimental.pallas import tpu as pltpu
from jax.experimental.pallas import tpu_sc as plsc

N_CAND = 16384
POOL_SIZE = 4096
SUMMARY_DIM = 128
THRESHOLD = 0.5
L = 16
NW = 32
ROWS_PER_TILE = POOL_SIZE // NW

_mesh = plsc.VectorSubcoreMesh(core_axis_name="c", subcore_axis_name="s")


def _iota():
    return lax.iota(jnp.int32, L)


@functools.partial(
    pl.kernel,
    out_type=[
        jax.ShapeDtypeStruct((POOL_SIZE,), jnp.float32),
        jax.ShapeDtypeStruct((POOL_SIZE,), jnp.int32),
        jax.ShapeDtypeStruct((L,), jnp.int32),
    ],
    mesh=_mesh,
    scratch_types=[
        pltpu.VMEM((N_CAND,), jnp.float32),
        pltpu.VMEM((N_CAND,), jnp.float32),
        pltpu.VMEM((N_CAND,), jnp.int32),
        pltpu.VMEM((POOL_SIZE,), jnp.float32),
        pltpu.VMEM((POOL_SIZE,), jnp.int32),
        pltpu.VMEM((POOL_SIZE // L,), jnp.float32),
        pltpu.VMEM((L,), jnp.int32),
        pltpu.SemaphoreType.DMA,
    ],
    compiler_params=pltpu.CompilerParams(needs_layout_passes=False),
)
def _k1(scores_hbm, priorities_hbm, pri_out, cand_out, stats_out,
        sc_v, vsc_v, vid_v, pri_v, cand_v, g1_v, stat_v, dsem):
    wid = lax.axis_index("s") * 2 + lax.axis_index("c")

    @pl.when(wid == 0)
    def _():
        Q = N_CAND // 4
        copies = [
            pltpu.async_copy(scores_hbm.at[pl.ds(q * Q, Q)],
                             sc_v.at[pl.ds(q * Q, Q)], dsem)
            for q in range(4)
        ]
        copies.append(pltpu.async_copy(priorities_hbm, pri_v, dsem))
        for c in copies:
            c.wait()
        iot = _iota()

        def compact_body(c, off_v):
            v = sc_v[pl.ds(c * L, L)]
            msk = v > THRESHOLD
            incl = jnp.cumsum(jnp.where(msk, 1, 0))
            pos = off_v + incl - 1
            ids = c * L + iot
            plsc.store_scatter(vsc_v, [pos], v, mask=msk)
            plsc.store_scatter(vid_v, [pos], ids, mask=msk)
            return off_v + jnp.max(incl)

        off_v = lax.fori_loop(0, N_CAND // L, compact_body,
                              jnp.zeros((L,), jnp.int32))
        nvalid = jnp.max(off_v)
        k_count = jnp.minimum(nvalid, POOL_SIZE)
        m_rep = nvalid - k_count

        lane0 = iot == 0

        def insert_body(ci, _):
            base = ci * L
            msk = (base + iot) < k_count
            scv = vsc_v[pl.ds(base, L)]
            idv = vid_v[pl.ds(base, L)]
            pold = pri_v[pl.ds(base, L)]
            pnew = jnp.where(msk, scv, pold)
            pri_v[pl.ds(base, L)] = pnew
            cand_v[pl.ds(base, L)] = jnp.where(msk, idv, -1)
            mn = jnp.min(pnew)
            plsc.store_scatter(g1_v, [jnp.full((L,), ci, jnp.int32)],
                               jnp.full((L,), mn, jnp.float32), mask=lane0)
            return 0

        lax.fori_loop(0, POOL_SIZE // L, insert_body, 0)

        def g2_body(g, acc):
            x = g1_v[pl.ds(g * L, L)]
            return jnp.where(iot == g, jnp.min(x), acc)

        g2v0 = lax.fori_loop(0, L, g2_body, jnp.zeros((L,), jnp.float32))

        def rep_body(t, carry):
            g2v, rv, idv = carry
            pos_n = jnp.minimum(POOL_SIZE + t + 1, N_CAND - 1)
            posv_n = jnp.full((L,), pos_n, jnp.int32)
            rv_n = plsc.load_gather(vsc_v, [posv_n])
            idv_n = plsc.load_gather(vid_v, [posv_n])
            acc = jnp.any(rv > g2v)
            gmin = jnp.min(g2v)
            l2 = jnp.min(jnp.where(g2v == gmin, iot, L))
            g1c = g1_v[pl.ds(l2 * L, L)]
            l1 = jnp.min(jnp.where(g1c == gmin, iot, L))
            grp = l2 * L + l1
            pc = pri_v[pl.ds(grp * L, L)]
            l0 = jnp.min(jnp.where(pc == gmin, iot, L))
            newp = jnp.where(jnp.logical_and(iot == l0, acc), rv, pc)
            pri_v[pl.ds(grp * L, L)] = newp
            cc = cand_v[pl.ds(grp * L, L)]
            cand_v[pl.ds(grp * L, L)] = jnp.where(
                jnp.logical_and(iot == l0, acc), idv, cc)
            ng1 = jnp.min(newp)
            g1c2 = jnp.where(jnp.logical_and(iot == l1, acc), ng1, g1c)
            g1_v[pl.ds(l2 * L, L)] = g1c2
            ng2 = jnp.min(g1c2)
            g2v = jnp.where(jnp.logical_and(iot == l2, acc), ng2, g2v)
            return (g2v, rv_n, idv_n)

        posv0 = jnp.full((L,), POOL_SIZE, jnp.int32)
        rv0 = plsc.load_gather(vsc_v, [posv0])
        idv0 = plsc.load_gather(vid_v, [posv0])
        lax.fori_loop(0, m_rep, rep_body, (g2v0, rv0, idv0))

        stat_v[...] = jnp.where(iot == 0, k_count,
                                jnp.where(iot == 1, nvalid, 0))
        outs = [pltpu.async_copy(pri_v, pri_out, dsem),
                pltpu.async_copy(cand_v, cand_out, dsem),
                pltpu.async_copy(stat_v, stats_out, dsem)]
        for c in outs:
            c.wait()


@functools.partial(
    pl.kernel,
    out_type=jax.ShapeDtypeStruct((POOL_SIZE, SUMMARY_DIM), jnp.float32),
    mesh=_mesh,
    scratch_types=[
        pltpu.VMEM((ROWS_PER_TILE,), jnp.int32),
        pltpu.VMEM((ROWS_PER_TILE, SUMMARY_DIM), jnp.float32),
        pltpu.VMEM((ROWS_PER_TILE, SUMMARY_DIM), jnp.float32),
        pltpu.VMEM((L,), jnp.int32),
        pltpu.SemaphoreType.DMA,
    ],
    compiler_params=pltpu.CompilerParams(needs_layout_passes=False),
)
def _k2(summaries_hbm, pool_hbm, cand_hbm, stats_hbm, pool_out,
        idx_v, rows_v, pol_v, stat_v, sem):
    wid = lax.axis_index("s") * 2 + lax.axis_index("c")
    base = wid * ROWS_PER_TILE
    iot = _iota()

    pltpu.sync_copy(cand_hbm.at[pl.ds(base, ROWS_PER_TILE)], idx_v)
    pltpu.sync_copy(stats_hbm, stat_v)
    stat = stat_v[...]
    k_count = jnp.max(jnp.where(iot == 0, stat, jnp.int32(-2147483648)))

    @pl.when(base + ROWS_PER_TILE <= k_count)
    def _():
        pltpu.async_copy(summaries_hbm.at[idx_v], rows_v, sem).wait()
        pltpu.sync_copy(rows_v, pool_out.at[pl.ds(base, ROWS_PER_TILE)])

    @pl.when(base >= k_count)
    def _():
        pltpu.sync_copy(pool_hbm.at[pl.ds(base, ROWS_PER_TILE)], rows_v)
        pltpu.sync_copy(rows_v, pool_out.at[pl.ds(base, ROWS_PER_TILE)])

    @pl.when(jnp.logical_and(base < k_count, base + ROWS_PER_TILE > k_count))
    def _():
        def clamp_body(i, _):
            c = idx_v[pl.ds(i * L, L)]
            idx_v[pl.ds(i * L, L)] = jnp.maximum(c, 0)
            return 0

        lax.fori_loop(0, ROWS_PER_TILE // L, clamp_body, 0)
        pltpu.async_copy(summaries_hbm.at[idx_v], rows_v, sem).wait()
        pltpu.sync_copy(pool_hbm.at[pl.ds(base, ROWS_PER_TILE)], pol_v)

        def fix_body(r, _):
            @pl.when(base + r >= k_count)
            def _():
                def col_body(c8, _):
                    rows_v[r, pl.ds(c8 * L, L)] = pol_v[r, pl.ds(c8 * L, L)]
                    return 0

                lax.fori_loop(0, SUMMARY_DIM // L, col_body, 0)

            return 0

        lax.fori_loop(0, ROWS_PER_TILE, fix_body, 0)
        pltpu.sync_copy(rows_v, pool_out.at[pl.ds(base, ROWS_PER_TILE)])


def kernel(summaries, scores, pool, priorities):
    pri_out, cand, stats = _k1(scores, priorities)
    pool_out = _k2(summaries, pool, cand, stats)
    return pool_out, pri_out, stats[0]

# --- scband reference (transcript-rebuilt; emitter-appended) ---
"""Pipeline reference for scband-memory-pool-82214263980182 (READ-ONLY COPY).

The authoritative reference and input builder live on the scoring server;
editing this copy changes nothing except your own understanding.
"""

import jax, jax.numpy as jnp
import numpy as np

POOL_SIZE = 4096
SUMMARY_DIM = 128
N_CAND = 16384
THRESHOLD = 0.5


def setup_inputs(seed: int = 0) -> dict:
    key = jax.random.key(seed)
    k1, k2 = jax.random.split(key)
    summaries = jax.random.normal(k1, (N_CAND, SUMMARY_DIM), dtype=jnp.float32)
    scores = jax.random.normal(k2, (N_CAND,), dtype=jnp.float32)
    pool = jnp.zeros((POOL_SIZE, SUMMARY_DIM), dtype=jnp.float32)
    priorities = jnp.zeros((POOL_SIZE,), dtype=jnp.float32)
    return {"summaries": summaries, "scores": scores, "pool": pool, "priorities": priorities}


def reference(summaries, scores, pool, priorities):
    # Faithful translation of MemoryPool.update: sequential priority-based
    # insertion/replacement over candidates. Original torch update() mutates
    # buffers and returns None; here we return the updated buffer state
    # (pool, priorities, count), matching get_memories() semantics.
    count0 = jnp.array(0, dtype=jnp.int32)

    def step(carry, xs):
        pool, priorities, count = carry
        summary, score = xs
        valid = score > THRESHOLD  # mask = scores > threshold
        has_space = count < POOL_SIZE
        min_idx = jnp.argmin(priorities).astype(jnp.int32)
        replace_ok = score > priorities[min_idx]
        do_insert = valid & has_space
        do_replace = valid & jnp.logical_not(has_space) & replace_ok
        do_write = do_insert | do_replace
        idx = jnp.where(do_insert, count, min_idx)
        new_row = jnp.where(do_write, summary, pool[idx])
        new_pri = jnp.where(do_write, score, priorities[idx])
        pool = pool.at[idx].set(new_row)
        priorities = priorities.at[idx].set(new_pri)
        count = count + do_insert.astype(jnp.int32)
        return (pool, priorities, count), None

    (pool, priorities, count), _ = jax.lax.scan(
        step, (pool, priorities, count0), (summaries, scores)
    )
    return pool, priorities, count

if __name__ == "__main__":
    import jax
    _d = setup_inputs()
    print(jax.jit(kernel)(*tuple(_d.values())))

</pallas_src>

<mosaic_0001>
#map = affine_map<(d0, d1) -> (0)>
module attributes {stable_mosaic.version = 14 : i64} {
  func.func @_k1(%arg0: i32, %arg1: i32, %arg2: memref<16384xf32, #tpu.memory_space<hbm>>, %arg3: memref<4096xf32, #tpu.memory_space<hbm>>, %arg4: memref<4096xf32, #tpu.memory_space<hbm>>, %arg5: memref<4096xi32, #tpu.memory_space<hbm>>, %arg6: memref<16xi32, #tpu.memory_space<hbm>>, %arg7: memref<16384xf32, #tpu.memory_space<vmem>>, %arg8: memref<16384xf32, #tpu.memory_space<vmem>>, %arg9: memref<16384xi32, #tpu.memory_space<vmem>>, %arg10: memref<4096xf32, #tpu.memory_space<vmem>>, %arg11: memref<4096xi32, #tpu.memory_space<vmem>>, %arg12: memref<256xf32, #tpu.memory_space<vmem>>, %arg13: memref<16xi32, #tpu.memory_space<vmem>>, %arg14: memref<!tpu.dma_semaphore, #tpu.memory_space<semaphore_mem>>) attributes {dimension_semantics = [#tpu.dimension_semantics<core_parallel>, #tpu.dimension_semantics<subcore_parallel>], iteration_bounds = array<i64: 2, 16>, scalar_prefetch = 0 : i64, scratch_operands = 8 : i64, tpu.core_type = #tpu.core_type<sc_vector_subcore>, window_params = [{transform_indices = #map}, {transform_indices = #map}, {transform_indices = #map}, {transform_indices = #map}, {transform_indices = #map}]} {
    %mul3A = arith.constant 2 : i32
    %mul3A_0 = arith.muli %arg1, %mul3A : i32
    %add3A = arith.addi %mul3A_0, %arg0 : i32
    %eq3A = arith.constant 0 : i32
    %eq3A_1 = arith.cmpi eq, %add3A, %eq3A : i32
    %convert_element_type3A = arith.extui %eq3A_1 : i1 to i32
    %cond3A = arith.constant 0 : i32
    %cond3A_2 = arith.cmpi ne, %convert_element_type3A, %cond3A : i32
    scf.if %cond3A_2 {
      %dma_start3A = arith.constant 0 : i32
      %dma_start3A_3 = tpu.memref_slice %arg7[%dma_start3A] : memref<16384xf32, #tpu.memory_space<vmem>> -> memref<4096xf32, #tpu.memory_space<vmem>>
      %dma_start3A_4 = arith.constant 0 : i32
      %dma_start3A_5 = tpu.memref_slice %arg2[%dma_start3A_4] : memref<16384xf32, #tpu.memory_space<hbm>> -> memref<4096xf32, #tpu.memory_space<hbm>>
      %dma_start3A_6 = arith.constant 0 : i32
      %dma_start3A_7 = tpu.memref_slice %arg7[%dma_start3A_6] : memref<16384xf32, #tpu.memory_space<vmem>> -> memref<4096xf32, #tpu.memory_space<vmem>>
      %dma_start3A_8 = arith.constant 0 : i32
      %dma_start3A_9 = tpu.memref_slice %arg2[%dma_start3A_8] : memref<16384xf32, #tpu.memory_space<hbm>> -> memref<4096xf32, #tpu.memory_space<hbm>>
      tpu.enqueue_dma source(%dma_start3A_9 : memref<4096xf32, #tpu.memory_space<hbm>>) target(%dma_start3A_7 : memref<4096xf32, #tpu.memory_space<vmem>>) target_semaphore(%arg14 : memref<!tpu.dma_semaphore, #tpu.memory_space<semaphore_mem>>)
      %dma_start3A_10 = arith.constant 4096 : i32
      %dma_start3A_11 = tpu.memref_slice %arg7[%dma_start3A_10] : memref<16384xf32, #tpu.memory_space<vmem>> -> memref<4096xf32, #tpu.memory_space<vmem>>
      %dma_start3A_12 = arith.constant 4096 : i32
      %dma_start3A_13 = tpu.memref_slice %arg2[%dma_start3A_12] : memref<16384xf32, #tpu.memory_space<hbm>> -> memref<4096xf32, #tpu.memory_space<hbm>>
      %dma_start3A_14 = arith.constant 4096 : i32
      %dma_start3A_15 = tpu.memref_slice %arg7[%dma_start3A_14] : memref<16384xf32, #tpu.memory_space<vmem>> -> memref<4096xf32, #tpu.memory_space<vmem>>
      %dma_start3A_16 = arith.constant 4096 : i32
      %dma_start3A_17 = tpu.memref_slice %arg2[%dma_start3A_16] : memref<16384xf32, #tpu.memory_space<hbm>> -> memref<4096xf32, #tpu.memory_space<hbm>>
      tpu.enqueue_dma source(%dma_start3A_17 : memref<4096xf32, #tpu.memory_space<hbm>>) target(%dma_start3A_15 : memref<4096xf32, #tpu.memory_space<vmem>>) target_semaphore(%arg14 : memref<!tpu.dma_semaphore, #tpu.memory_space<semaphore_mem>>)
      %dma_start3A_18 = arith.constant 8192 : i32
      %dma_start3A_19 = tpu.memref_slice %arg7[%dma_start3A_18] : memref<16384xf32, #tpu.memory_space<vmem>> -> memref<4096xf32, #tpu.memory_space<vmem>>
      %dma_start3A_20 = arith.constant 8192 : i32
      %dma_start3A_21 = tpu.memref_slice %arg2[%dma_start3A_20] : memref<16384xf32, #tpu.memory_space<hbm>> -> memref<4096xf32, #tpu.memory_space<hbm>>
      %dma_start3A_22 = arith.constant 8192 : i32
      %dma_start3A_23 = tpu.memref_slice %arg7[%dma_start3A_22] : memref<16384xf32, #tpu.memory_space<vmem>> -> memref<4096xf32, #tpu.memory_space<vmem>>
      %dma_start3A_24 = arith.constant 8192 : i32
      %dma_start3A_25 = tpu.memref_slice %arg2[%dma_start3A_24] : memref<16384xf32, #tpu.memory_space<hbm>> -> memref<4096xf32, #tpu.memory_space<hbm>>
      tpu.enqueue_dma source(%dma_start3A_25 : memref<4096xf32, #tpu.memory_space<hbm>>) target(%dma_start3A_23 : memref<4096xf32, #tpu.memory_space<vmem>>) target_semaphore(%arg14 : memref<!tpu.dma_semaphore, #tpu.memory_space<semaphore_mem>>)
      %dma_start3A_26 = arith.constant 12288 : i32
      %dma_start3A_27 = tpu.memref_slice %arg7[%dma_start3A_26] : memref<16384xf32, #tpu.memory_space<vmem>> -> memref<4096xf32, #tpu.memory_space<vmem>>
      %dma_start3A_28 = arith.constant 12288 : i32
      %dma_start3A_29 = tpu.memref_slice %arg2[%dma_start3A_28] : memref<16384xf32, #tpu.memory_space<hbm>> -> memref<4096xf32, #tpu.memory_space<hbm>>
      %dma_start3A_30 = arith.constant 12288 : i32
      %dma_start3A_31 = tpu.memref_slice %arg7[%dma_start3A_30] : memref<16384xf32, #tpu.memory_space<vmem>> -> memref<4096xf32, #tpu.memory_space<vmem>>
      %dma_start3A_32 = arith.constant 12288 : i32
      %dma_start3A_33 = tpu.memref_slice %arg2[%dma_start3A_32] : memref<16384xf32, #tpu.memory_space<hbm>> -> memref<4096xf32, #tpu.memory_space<hbm>>
      tpu.enqueue_dma source(%dma_start3A_33 : memref<4096xf32, #tpu.memory_space<hbm>>) target(%dma_start3A_31 : memref<4096xf32, #tpu.memory_space<vmem>>) target_semaphore(%arg14 : memref<!tpu.dma_semaphore, #tpu.memory_space<semaphore_mem>>)
      tpu.enqueue_dma source(%arg3 : memref<4096xf32, #tpu.memory_space<hbm>>) target(%arg10 : memref<4096xf32, #tpu.memory_space<vmem>>) target_semaphore(%arg14 : memref<!tpu.dma_semaphore, #tpu.memory_space<semaphore_mem>>)
      %dma_wait3A = arith.constant 0 : i32
      %dma_wait3A_34 = tpu.memref_slice %arg7[%dma_wait3A] : memref<16384xf32, #tpu.memory_space<vmem>> -> memref<4096xf32, #tpu.memory_space<vmem>>
      %dma_wait3A_35 = arith.constant 0 : i32
      %dma_wait3A_36 = tpu.memref_slice %arg2[%dma_wait3A_35] : memref<16384xf32, #tpu.memory_space<hbm>> -> memref<4096xf32, #tpu.memory_space<hbm>>
      %dma_wait3A_37 = arith.constant 0 : i32
      %dma_wait3A_38 = tpu.memref_slice %arg7[%dma_wait3A_37] : memref<16384xf32, #tpu.memory_space<vmem>> -> memref<4096xf32, #tpu.memory_space<vmem>>
      %dma_wait3A_39 = arith.constant 0 : i32
      %dma_wait3A_40 = tpu.memref_slice %arg2[%dma_wait3A_39] : memref<16384xf32, #tpu.memory_space<hbm>> -> memref<4096xf32, #tpu.memory_space<hbm>>
      tpu.wait_dma2 semaphore(%arg14 : memref<!tpu.dma_semaphore, #tpu.memory_space<semaphore_mem>>) src(%dma_wait3A_40 : memref<4096xf32, #tpu.memory_space<hbm>>) dst(%dma_wait3A_38 : memref<4096xf32, #tpu.memory_space<vmem>>)
      %dma_wait3A_41 = arith.constant 4096 : i32
      %dma_wait3A_42 = tpu.memref_slice %arg7[%dma_wait3A_41] : memref<16384xf32, #tpu.memory_space<vmem>> -> memref<4096xf32, #tpu.memory_space<vmem>>
      %dma_wait3A_43 = arith.constant 4096 : i32
      %dma_wait3A_44 = tpu.memref_slice %arg2[%dma_wait3A_43] : memref<16384xf32, #tpu.memory_space<hbm>> -> memref<4096xf32, #tpu.memory_space<hbm>>
      %dma_wait3A_45 = arith.constant 4096 : i32
      %dma_wait3A_46 = tpu.memref_slice %arg7[%dma_wait3A_45] : memref<16384xf32, #tpu.memory_space<vmem>> -> memref<4096xf32, #tpu.memory_space<vmem>>
      %dma_wait3A_47 = arith.constant 4096 : i32
      %dma_wait3A_48 = tpu.memref_slice %arg2[%dma_wait3A_47] : memref<16384xf32, #tpu.memory_space<hbm>> -> memref<4096xf32, #tpu.memory_space<hbm>>
      tpu.wait_dma2 semaphore(%arg14 : memref<!tpu.dma_semaphore, #tpu.memory_space<semaphore_mem>>) src(%dma_wait3A_48 : memref<4096xf32, #tpu.memory_space<hbm>>) dst(%dma_wait3A_46 : memref<4096xf32, #tpu.memory_space<vmem>>)
      %dma_wait3A_49 = arith.constant 8192 : i32
      %dma_wait3A_50 = tpu.memref_slice %arg7[%dma_wait3A_49] : memref<16384xf32, #tpu.memory_space<vmem>> -> memref<4096xf32, #tpu.memory_space<vmem>>
      %dma_wait3A_51 = arith.constant 8192 : i32
      %dma_wait3A_52 = tpu.memref_slice %arg2[%dma_wait3A_51] : memref<16384xf32, #tpu.memory_space<hbm>> -> memref<4096xf32, #tpu.memory_space<hbm>>
      %dma_wait3A_53 = arith.constant 8192 : i32
      %dma_wait3A_54 = tpu.memref_slice %arg7[%dma_wait3A_53] : memref<16384xf32, #tpu.memory_space<vmem>> -> memref<4096xf32, #tpu.memory_space<vmem>>
      %dma_wait3A_55 = arith.constant 8192 : i32
      %dma_wait3A_56 = tpu.memref_slice %arg2[%dma_wait3A_55] : memref<16384xf32, #tpu.memory_space<hbm>> -> memref<4096xf32, #tpu.memory_space<hbm>>
      tpu.wait_dma2 semaphore(%arg14 : memref<!tpu.dma_semaphore, #tpu.memory_space<semaphore_mem>>) src(%dma_wait3A_56 : memref<4096xf32, #tpu.memory_space<hbm>>) dst(%dma_wait3A_54 : memref<4096xf32, #tpu.memory_space<vmem>>)
      %dma_wait3A_57 = arith.constant 12288 : i32
      %dma_wait3A_58 = tpu.memref_slice %arg7[%dma_wait3A_57] : memref<16384xf32, #tpu.memory_space<vmem>> -> memref<4096xf32, #tpu.memory_space<vmem>>
      %dma_wait3A_59 = arith.constant 12288 : i32
      %dma_wait3A_60 = tpu.memref_slice %arg2[%dma_wait3A_59] : memref<16384xf32, #tpu.memory_space<hbm>> -> memref<4096xf32, #tpu.memory_space<hbm>>
      %dma_wait3A_61 = arith.constant 12288 : i32
      %dma_wait3A_62 = tpu.memref_slice %arg7[%dma_wait3A_61] : memref<16384xf32, #tpu.memory_space<vmem>> -> memref<4096xf32, #tpu.memory_space<vmem>>
      %dma_wait3A_63 = arith.constant 12288 : i32
      %dma_wait3A_64 = tpu.memref_slice %arg2[%dma_wait3A_63] : memref<16384xf32, #tpu.memory_space<hbm>> -> memref<4096xf32, #tpu.memory_space<hbm>>
      tpu.wait_dma2 semaphore(%arg14 : memref<!tpu.dma_semaphore, #tpu.memory_space<semaphore_mem>>) src(%dma_wait3A_64 : memref<4096xf32, #tpu.memory_space<hbm>>) dst(%dma_wait3A_62 : memref<4096xf32, #tpu.memory_space<vmem>>)
      tpu.wait_dma2 semaphore(%arg14 : memref<!tpu.dma_semaphore, #tpu.memory_space<semaphore_mem>>) src(%arg3 : memref<4096xf32, #tpu.memory_space<hbm>>) dst(%arg10 : memref<4096xf32, #tpu.memory_space<vmem>>)
      %iota3A = tpu.iota {dimensions = array<i32: 0>} : vector<16xi32>
      %broadcast_in_dim3A = arith.constant 0 : i32
      %broadcast_in_dim3A_65 = vector.broadcast %broadcast_in_dim3A : i32 to vector<16xi32>
      %scan3A = arith.constant 0 : i32
      %scan3A_66 = arith.constant 1024 : i32
      %scan3A_67 = arith.addi %scan3A, %scan3A_66 : i32
      %scan3A_68 = arith.constant 1 : i32
      %scan3A_69 = scf.for %scan3A_121 = %scan3A to %scan3A_67 step %scan3A_68 iter_args(%scan3A_122 = %broadcast_in_dim3A_65) -> (vector<16xi32>)  : i32 {
        %mul3A_123 = arith.constant 16 : i32
        %mul3A_124 = arith.muli %scan3A_121, %mul3A_123 : i32
        %get3A = arith.index_cast %mul3A_124 : i32 to index
        %get3A_125 = tpu.vector_load %arg7[%get3A] {strides = array<i32>} : memref<16384xf32, #tpu.memory_space<vmem>>, vector<16xf32>,
        %gt3A = arith.constant 5.000000e-01 : f32
        %gt3A_126 = vector.broadcast %gt3A : f32 to vector<16xf32>
        %gt3A_127 = arith.cmpf ogt, %get3A_125, %gt3A_126 : vector<16xf32>
        %jit3A_128 = arith.constant 1 : i32
        %jit3A_129 = arith.constant 0 : i32
        %broadcast_in_dim3A_130 = vector.broadcast %jit3A_128 : i32 to vector<16xi32>
        %broadcast_in_dim3A_131 = vector.broadcast %jit3A_129 : i32 to vector<16xi32>
        %select_n3A_132 = arith.select %gt3A_127, %broadcast_in_dim3A_130, %broadcast_in_dim3A_131 : vector<16xi1>, vector<16xi32>
        %cumsum3A = arith.constant true
        %cumsum3A_133 = vector.broadcast %cumsum3A : i1 to vector<16xi1>
        %cumsum3A_134 = tpu.scan <sum>, %select_n3A_132 masked %cumsum3A_133 : vector<16xi32>, vector<16xi1> -> vector<16xi32>
        %add3A_135 = arith.addi %scan3A_122, %cumsum3A_134 : vector<16xi32>
        %sub3A_136 = arith.constant 1 : i32
        %sub3A_137 = vector.broadcast %sub3A_136 : i32 to vector<16xi32>
        %sub3A_138 = arith.subi %add3A_135, %sub3A_137 : vector<16xi32>
        %mul3A_139 = arith.constant 16 : i32
        %mul3A_140 = arith.muli %scan3A_121, %mul3A_139 : i32
        %add3A_141 = vector.broadcast %mul3A_140 : i32 to vector<16xi32>
        %add3A_142 = arith.addi %add3A_141, %iota3A : vector<16xi32>
        tpu.vector_store_idx %arg8[%sub3A_138], %get3A_125 masked %gt3A_127 : memref<16384xf32, #tpu.memory_space<vmem>>[vector<16xi32>], vector<16xf32>, vector<16xi1>
        tpu.vector_store_idx %arg9[%sub3A_138], %add3A_142 masked %gt3A_127 : memref<16384xi32, #tpu.memory_space<vmem>>[vector<16xi32>], vector<16xi32>, vector<16xi1>
        %reduce_max3A_143 = arith.constant true
        %reduce_max3A_144 = vector.broadcast %reduce_max3A_143 : i1 to vector<16xi1>
        %reduce_max3A_145 = arith.constant -2147483648 : i32
        %reduce_max3A_146 = vector.broadcast %reduce_max3A_145 : i32 to vector<16xi32>
        %reduce_max3A_147 = arith.xori %cumsum3A_134, %reduce_max3A_146 : vector<16xi32>
        %reduce_max3A_148 = tpu.scan <max>, %reduce_max3A_147 masked %reduce_max3A_144 : vector<16xi32>, vector<16xi1> -> vector<16xi32>
        %reduce_max3A_149 = arith.xori %reduce_max3A_148, %reduce_max3A_146 : vector<16xi32>
        %reduce_max3A_150 = vector.extract %reduce_max3A_149[15] : i32 from vector<16xi32>
        %add3A_151 = vector.broadcast %reduce_max3A_150 : i32 to vector<16xi32>
        %add3A_152 = arith.addi %scan3A_122, %add3A_151 : vector<16xi32>
        scf.yield %add3A_152 : vector<16xi32>
      }
      %scan3A_70 = arith.constant 1024 : i32
      %reduce_max3A = arith.constant true
      %reduce_max3A_71 = vector.broadcast %reduce_max3A : i1 to vector<16xi1>
      %reduce_max3A_72 = arith.constant -2147483648 : i32
      %reduce_max3A_73 = vector.broadcast %reduce_max3A_72 : i32 to vector<16xi32>
      %reduce_max3A_74 = arith.xori %scan3A_69, %reduce_max3A_73 : vector<16xi32>
      %reduce_max3A_75 = tpu.scan <max>, %reduce_max3A_74 masked %reduce_max3A_71 : vector<16xi32>, vector<16xi1> -> vector<16xi32>
      %reduce_max3A_76 = arith.xori %reduce_max3A_75, %reduce_max3A_73 : vector<16xi32>
      %reduce_max3A_77 = vector.extract %reduce_max3A_76[15] : i32 from vector<16xi32>
      %min3A = arith.constant 4096 : i32
      %min3A_78 = arith.minsi %reduce_max3A_77, %min3A : i32
      %sub3A = arith.subi %reduce_max3A_77, %min3A_78 : i32
      %eq3A_79 = arith.constant 0 : i32
      %eq3A_80 = vector.broadcast %eq3A_79 : i32 to vector<16xi32>
      %eq3A_81 = arith.cmpi eq, %iota3A, %eq3A_80 : vector<16xi32>
      %scan3A_82 = arith.constant 0 : i32
      %scan3A_83 = arith.constant 0 : i32
      %scan3A_84 = arith.constant 256 : i32
      %scan3A_85 = arith.addi %scan3A_83, %scan3A_84 : i32
      %scan3A_86 = arith.constant 1 : i32
      %scan3A_87 = scf.for %scan3A_121 = %scan3A_83 to %scan3A_85 step %scan3A_86 iter_args(%scan3A_122 = %scan3A_82) -> (i32)  : i32 {
        %mul3A_123 = arith.constant 16 : i32
        %mul3A_124 = arith.muli %scan3A_121, %mul3A_123 : i32
        %add3A_125 = vector.broadcast %mul3A_124 : i32 to vector<16xi32>
        %add3A_126 = arith.addi %add3A_125, %iota3A : vector<16xi32>
        %lt3A = vector.broadcast %min3A_78 : i32 to vector<16xi32>
        %lt3A_127 = arith.cmpi slt, %add3A_126, %lt3A : vector<16xi32>
        %get3A = arith.index_cast %mul3A_124 : i32 to index
        %get3A_128 = tpu.vector_load %arg8[%get3A] {strides = array<i32>} : memref<16384xf32, #tpu.memory_space<vmem>>, vector<16xf32>,
        %get3A_129 = arith.index_cast %mul3A_124 : i32 to index
        %get3A_130 = tpu.vector_load %arg9[%get3A_129] {strides = array<i32>} : memref<16384xi32, #tpu.memory_space<vmem>>, vector<16xi32>,
        %get3A_131 = arith.index_cast %mul3A_124 : i32 to index
        %get3A_132 = tpu.vector_load %arg10[%get3A_131] {strides = array<i32>} : memref<4096xf32, #tpu.memory_space<vmem>>, vector<16xf32>,
        %select_n3A_133 = arith.select %lt3A_127, %get3A_128, %get3A_132 : vector<16xi1>, vector<16xf32>
        %swap3A_134 = arith.index_cast %mul3A_124 : i32 to index
        %swap3A_135 = tpu.vector_load %arg10[%swap3A_134] {strides = array<i32>} : memref<4096xf32, #tpu.memory_space<vmem>>, vector<16xf32>,
        tpu.vector_store %arg10[%swap3A_134], %select_n3A_133 {strides = array<i32>} : memref<4096xf32, #tpu.memory_space<vmem>>, vector<16xf32>,
        %jit3A_136 = arith.constant -1 : i32
        %broadcast_in_dim3A_137 = vector.broadcast %jit3A_136 : i32 to vector<16xi32>
        %select_n3A_138 = arith.select %lt3A_127, %get3A_130, %broadcast_in_dim3A_137 : vector<16xi1>, vector<16xi32>
        %swap3A_139 = arith.index_cast %mul3A_124 : i32 to index
        %swap3A_140 = tpu.vector_load %arg11[%swap3A_139] {strides = array<i32>} : memref<4096xi32, #tpu.memory_space<vmem>>, vector<16xi32>,
        tpu.vector_store %arg11[%swap3A_139], %select_n3A_138 {strides = array<i32>} : memref<4096xi32, #tpu.memory_space<vmem>>, vector<16xi32>,
        %reduce_min3A = arith.constant true
        %reduce_min3A_141 = vector.broadcast %reduce_min3A : i1 to vector<16xi1>
        %reduce_min3A_142 = tpu.scan <min>, %select_n3A_133 masked %reduce_min3A_141 : vector<16xf32>, vector<16xi1> -> vector<16xf32>
        %reduce_min3A_143 = vector.extract %reduce_min3A_142[15] : f32 from vector<16xf32>
        %broadcast_in_dim3A_144 = vector.broadcast %scan3A_121 : i32 to vector<16xi32>
        %broadcast_in_dim3A_145 = vector.broadcast %reduce_min3A_143 : f32 to vector<16xf32>
        tpu.vector_store_idx %arg12[%broadcast_in_dim3A_144], %broadcast_in_dim3A_145 masked %eq3A_81 : memref<256xf32, #tpu.memory_space<vmem>>[vector<16xi32>], vector<16xf32>, vector<16xi1>
        %scan3A_146 = arith.constant 0 : i32
        scf.yield %scan3A_146 : i32
      }
      %scan3A_88 = arith.constant 256 : i32
      %broadcast_in_dim3A_89 = arith.constant 0.000000e+00 : f32
      %broadcast_in_dim3A_90 = vector.broadcast %broadcast_in_dim3A_89 : f32 to vector<16xf32>
      %scan3A_91 = arith.constant 0 : i32
      %scan3A_92 = arith.constant 16 : i32
      %scan3A_93 = arith.addi %scan3A_91, %scan3A_92 : i32
      %scan3A_94 = arith.constant 1 : i32
      %scan3A_95 = scf.for %scan3A_121 = %scan3A_91 to %scan3A_93 step %scan3A_94 iter_args(%scan3A_122 = %broadcast_in_dim3A_90) -> (vector<16xf32>)  : i32 {
        %mul3A_123 = arith.constant 16 : i32
        %mul3A_124 = arith.muli %scan3A_121, %mul3A_123 : i32
        %get3A = arith.index_cast %mul3A_124 : i32 to index
        %get3A_125 = tpu.vector_load %arg12[%get3A] {strides = array<i32>} : memref<256xf32, #tpu.memory_space<vmem>>, vector<16xf32>,
        %eq3A_126 = vector.broadcast %scan3A_121 : i32 to vector<16xi32>
        %eq3A_127 = arith.cmpi eq, %iota3A, %eq3A_126 : vector<16xi32>
        %reduce_min3A = arith.constant true
        %reduce_min3A_128 = vector.broadcast %reduce_min3A : i1 to vector<16xi1>
        %reduce_min3A_129 = tpu.scan <min>, %get3A_125 masked %reduce_min3A_128 : vector<16xf32>, vector<16xi1> -> vector<16xf32>
        %reduce_min3A_130 = vector.extract %reduce_min3A_129[15] : f32 from vector<16xf32>
        %broadcast_in_dim3A_131 = vector.broadcast %reduce_min3A_130 : f32 to vector<16xf32>
        %select_n3A_132 = arith.select %eq3A_127, %broadcast_in_dim3A_131, %scan3A_122 : vector<16xi1>, vector<16xf32>
        scf.yield %select_n3A_132 : vector<16xf32>
      }
      %scan3A_96 = arith.constant 16 : i32
      %broadcast_in_dim3A_97 = arith.constant 4096 : i32
      %broadcast_in_dim3A_98 = vector.broadcast %broadcast_in_dim3A_97 : i32 to vector<16xi32>
      %gather3A = tpu.vector_load_idx %arg8[%broadcast_in_dim3A_98] : memref<16384xf32, #tpu.memory_space<vmem>>[vector<16xi32>], vector<16xf32>,
      %gather3A_99 = tpu.vector_load_idx %arg9[%broadcast_in_dim3A_98] : memref<16384xi32, #tpu.memory_space<vmem>>[vector<16xi32>], vector<16xi32>,
      %while3A = arith.constant 0 : i32
      %while3A_100 = arith.subi %sub3A, %while3A : i32
      %while3A_101 = arith.addi %while3A, %while3A_100 : i32
      %while3A_102 = arith.constant 1 : i32
      %while3A_103 = arith.divsi %while3A_100, %while3A_102 : i32
      %while3A_104 = arith.muli %while3A_103, %while3A_102 : i32
      %while3A_105 = arith.addi %while3A, %while3A_104 : i32
      %while3A_106 = arith.constant 1 : i32
      %while3A_107:3 = scf.for %while3A_121 = %while3A to %while3A_105 step %while3A_106 iter_args(%while3A_122 = %scan3A_95, %while3A_123 = %gather3A, %while3A_124 = %gather3A_99) -> (vector<16xf32>, vector<16xf32>, vector<16xi32>)  : i32 {
        %add3A_125 = arith.constant 4096 : i32
        %add3A_126 = arith.addi %add3A_125, %while3A_121 : i32
        %add3A_127 = arith.constant 1 : i32
        %add3A_128 = arith.addi %add3A_126, %add3A_127 : i32
        %min3A_129 = arith.constant 16383 : i32
        %min3A_130 = arith.minsi %add3A_128, %min3A_129 : i32
        %broadcast_in_dim3A_131 = vector.broadcast %min3A_130 : i32 to vector<16xi32>
        %gather3A_132 = tpu.vector_load_idx %arg8[%broadcast_in_dim3A_131] : memref<16384xf32, #tpu.memory_space<vmem>>[vector<16xi32>], vector<16xf32>,
        %gather3A_133 = tpu.vector_load_idx %arg9[%broadcast_in_dim3A_131] : memref<16384xi32, #tpu.memory_space<vmem>>[vector<16xi32>], vector<16xi32>,
        %gt3A = arith.cmpf ogt, %while3A_123, %while3A_122 : vector<16xf32>
        %reduce_or3A = arith.constant 1.000000e+00 : f32
        %reduce_or3A_134 = arith.constant 0.000000e+00 : f32
        %reduce_or3A_135 = vector.broadcast %reduce_or3A : f32 to vector<16xf32>
        %reduce_or3A_136 = vector.broadcast %reduce_or3A_134 : f32 to vector<16xf32>
        %reduce_or3A_137 = arith.select %gt3A, %reduce_or3A_135, %reduce_or3A_136 : vector<16xi1>, vector<16xf32>
        %reduce_or3A_138 = arith.constant true
        %reduce_or3A_139 = vector.broadcast %reduce_or3A_138 : i1 to vector<16xi1>
        %reduce_or3A_140 = tpu.scan <max>, %reduce_or3A_137 masked %reduce_or3A_139 : vector<16xf32>, vector<16xi1> -> vector<16xf32>
        %reduce_or3A_141 = vector.extract %reduce_or3A_140[15] : f32 from vector<16xf32>
        %reduce_or3A_142 = arith.constant 0.000000e+00 : f32
        %reduce_or3A_143 = arith.cmpf ogt, %reduce_or3A_141, %reduce_or3A_142 : f32
        %reduce_min3A = arith.constant true
        %reduce_min3A_144 = vector.broadcast %reduce_min3A : i1 to vector<16xi1>
        %reduce_min3A_145 = tpu.scan <min>, %while3A_122 masked %reduce_min3A_144 : vector<16xf32>, vector<16xi1> -> vector<16xf32>
        %reduce_min3A_146 = vector.extract %reduce_min3A_145[15] : f32 from vector<16xf32>
        %eq3A_147 = vector.broadcast %reduce_min3A_146 : f32 to vector<16xf32>
        %eq3A_148 = arith.cmpf oeq, %while3A_122, %eq3A_147 : vector<16xf32>
        %jit3A_149 = arith.constant 16 : i32
        %broadcast_in_dim3A_150 = vector.broadcast %jit3A_149 : i32 to vector<16xi32>
        %select_n3A_151 = arith.select %eq3A_148, %iota3A, %broadcast_in_dim3A_150 : vector<16xi1>, vector<16xi32>
        %reduce_min3A_152 = arith.constant true
        %reduce_min3A_153 = vector.broadcast %reduce_min3A_152 : i1 to vector<16xi1>
        %reduce_min3A_154 = arith.constant -2147483648 : i32
        %reduce_min3A_155 = vector.broadcast %reduce_min3A_154 : i32 to vector<16xi32>
        %reduce_min3A_156 = arith.xori %select_n3A_151, %reduce_min3A_155 : vector<16xi32>
        %reduce_min3A_157 = tpu.scan <min>, %reduce_min3A_156 masked %reduce_min3A_153 : vector<16xi32>, vector<16xi1> -> vector<16xi32>
        %reduce_min3A_158 = arith.xori %reduce_min3A_157, %reduce_min3A_155 : vector<16xi32>
        %reduce_min3A_159 = vector.extract %reduce_min3A_158[15] : i32 from vector<16xi32>
        %mul3A_160 = arith.constant 16 : i32
        %mul3A_161 = arith.muli %reduce_min3A_159, %mul3A_160 : i32
        %get3A = arith.index_cast %mul3A_161 : i32 to index
        %get3A_162 = tpu.vector_load %arg12[%get3A] {strides = array<i32>} : memref<256xf32, #tpu.memory_space<vmem>>, vector<16xf32>,
        %eq3A_163 = vector.broadcast %reduce_min3A_146 : f32 to vector<16xf32>
        %eq3A_164 = arith.cmpf oeq, %get3A_162, %eq3A_163 : vector<16xf32>
        %jit3A_165 = arith.constant 16 : i32
        %broadcast_in_dim3A_166 = vector.broadcast %jit3A_165 : i32 to vector<16xi32>
        %select_n3A_167 = arith.select %eq3A_164, %iota3A, %broadcast_in_dim3A_166 : vector<16xi1>, vector<16xi32>
        %reduce_min3A_168 = arith.constant true
        %reduce_min3A_169 = vector.broadcast %reduce_min3A_168 : i1 to vector<16xi1>
        %reduce_min3A_170 = arith.constant -2147483648 : i32
        %reduce_min3A_171 = vector.broadcast %reduce_min3A_170 : i32 to vector<16xi32>
        %reduce_min3A_172 = arith.xori %select_n3A_167, %reduce_min3A_171 : vector<16xi32>
        %reduce_min3A_173 = tpu.scan <min>, %reduce_min3A_172 masked %reduce_min3A_169 : vector<16xi32>, vector<16xi1> -> vector<16xi32>
        %reduce_min3A_174 = arith.xori %reduce_min3A_173, %reduce_min3A_171 : vector<16xi32>
        %reduce_min3A_175 = vector.extract %reduce_min3A_174[15] : i32 from vector<16xi32>
        %mul3A_176 = arith.constant 16 : i32
        %mul3A_177 = arith.muli %reduce_min3A_159, %mul3A_176 : i32
        %add3A_178 = arith.addi %mul3A_177, %reduce_min3A_175 : i32
        %mul3A_179 = arith.constant 16 : i32
        %mul3A_180 = arith.muli %add3A_178, %mul3A_179 : i32
        %get3A_181 = arith.index_cast %mul3A_180 : i32 to index
        %get3A_182 = tpu.vector_load %arg10[%get3A_181] {strides = array<i32>} : memref<4096xf32, #tpu.memory_space<vmem>>, vector<16xf32>,
        %eq3A_183 = vector.broadcast %reduce_min3A_146 : f32 to vector<16xf32>
        %eq3A_184 = arith.cmpf oeq, %get3A_182, %eq3A_183 : vector<16xf32>
        %jit3A_185 = arith.constant 16 : i32
        %broadcast_in_dim3A_186 = vector.broadcast %jit3A_185 : i32 to vector<16xi32>
        %select_n3A_187 = arith.select %eq3A_184, %iota3A, %broadcast_in_dim3A_186 : vector<16xi1>, vector<16xi32>
        %reduce_min3A_188 = arith.constant true
        %reduce_min3A_189 = vector.broadcast %reduce_min3A_188 : i1 to vector<16xi1>
        %reduce_min3A_190 = arith.constant -2147483648 : i32
        %reduce_min3A_191 = vector.broadcast %reduce_min3A_190 : i32 to vector<16xi32>
        %reduce_min3A_192 = arith.xori %select_n3A_187, %reduce_min3A_191 : vector<16xi32>
        %reduce_min3A_193 = tpu.scan <min>, %reduce_min3A_192 masked %reduce_min3A_189 : vector<16xi32>, vector<16xi1> -> vector<16xi32>
        %reduce_min3A_194 = arith.xori %reduce_min3A_193, %reduce_min3A_191 : vector<16xi32>
        %reduce_min3A_195 = vector.extract %reduce_min3A_194[15] : i32 from vector<16xi32>
        %eq3A_196 = vector.broadcast %reduce_min3A_195 : i32 to vector<16xi32>
        %eq3A_197 = arith.cmpi eq, %iota3A, %eq3A_196 : vector<16xi32>
        %and3A = vector.broadcast %reduce_or3A_143 : i1 to vector<16xi1>
        %and3A_198 = arith.andi %eq3A_197, %and3A : vector<16xi1>
        %select_n3A_199 = arith.select %and3A_198, %while3A_123, %get3A_182 : vector<16xi1>, vector<16xf32>
        %mul3A_200 = arith.constant 16 : i32
        %mul3A_201 = arith.muli %add3A_178, %mul3A_200 : i32
        %swap3A_202 = arith.index_cast %mul3A_201 : i32 to index
        %swap3A_203 = tpu.vector_load %arg10[%swap3A_202] {strides = array<i32>} : memref<4096xf32, #tpu.memory_space<vmem>>, vector<16xf32>,
        tpu.vector_store %arg10[%swap3A_202], %select_n3A_199 {strides = array<i32>} : memref<4096xf32, #tpu.memory_space<vmem>>, vector<16xf32>,
        %mul3A_204 = arith.constant 16 : i32
        %mul3A_205 = arith.muli %add3A_178, %mul3A_204 : i32
        %get3A_206 = arith.index_cast %mul3A_205 : i32 to index
        %get3A_207 = tpu.vector_load %arg11[%get3A_206] {strides = array<i32>} : memref<4096xi32, #tpu.memory_space<vmem>>, vector<16xi32>,
        %eq3A_208 = vector.broadcast %reduce_min3A_195 : i32 to vector<16xi32>
        %eq3A_209 = arith.cmpi eq, %iota3A, %eq3A_208 : vector<16xi32>
        %and3A_210 = vector.broadcast %reduce_or3A_143 : i1 to vector<16xi1>
        %and3A_211 = arith.andi %eq3A_209, %and3A_210 : vector<16xi1>
        %select_n3A_212 = arith.select %and3A_211, %while3A_124, %get3A_207 : vector<16xi1>, vector<16xi32>
        %mul3A_213 = arith.constant 16 : i32
        %mul3A_214 = arith.muli %add3A_178, %mul3A_213 : i32
        %swap3A_215 = arith.index_cast %mul3A_214 : i32 to index
        %swap3A_216 = tpu.vector_load %arg11[%swap3A_215] {strides = array<i32>} : memref<4096xi32, #tpu.memory_space<vmem>>, vector<16xi32>,
        tpu.vector_store %arg11[%swap3A_215], %select_n3A_212 {strides = array<i32>} : memref<4096xi32, #tpu.memory_space<vmem>>, vector<16xi32>,
        %reduce_min3A_217 = arith.constant true
        %reduce_min3A_218 = vector.broadcast %reduce_min3A_217 : i1 to vector<16xi1>
        %reduce_min3A_219 = tpu.scan <min>, %select_n3A_199 masked %reduce_min3A_218 : vector<16xf32>, vector<16xi1> -> vector<16xf32>
        %reduce_min3A_220 = vector.extract %reduce_min3A_219[15] : f32 from vector<16xf32>
        %eq3A_221 = vector.broadcast %reduce_min3A_175 : i32 to vector<16xi32>
        %eq3A_222 = arith.cmpi eq, %iota3A, %eq3A_221 : vector<16xi32>
        %and3A_223 = vector.broadcast %reduce_or3A_143 : i1 to vector<16xi1>
        %and3A_224 = arith.andi %eq3A_222, %and3A_223 : vector<16xi1>
        %broadcast_in_dim3A_225 = vector.broadcast %reduce_min3A_220 : f32 to vector<16xf32>
        %select_n3A_226 = arith.select %and3A_224, %broadcast_in_dim3A_225, %get3A_162 : vector<16xi1>, vector<16xf32>
        %mul3A_227 = arith.constant 16 : i32
        %mul3A_228 = arith.muli %reduce_min3A_159, %mul3A_227 : i32
        %swap3A_229 = arith.index_cast %mul3A_228 : i32 to index
        %swap3A_230 = tpu.vector_load %arg12[%swap3A_229] {strides = array<i32>} : memref<256xf32, #tpu.memory_space<vmem>>, vector<16xf32>,
        tpu.vector_store %arg12[%swap3A_229], %select_n3A_226 {strides = array<i32>} : memref<256xf32, #tpu.memory_space<vmem>>, vector<16xf32>,
        %reduce_min3A_231 = arith.constant true
        %reduce_min3A_232 = vector.broadcast %reduce_min3A_231 : i1 to vector<16xi1>
        %reduce_min3A_233 = tpu.scan <min>, %select_n3A_226 masked %reduce_min3A_232 : vector<16xf32>, vector<16xi1> -> vector<16xf32>
        %reduce_min3A_234 = vector.extract %reduce_min3A_233[15] : f32 from vector<16xf32>
        %eq3A_235 = vector.broadcast %reduce_min3A_159 : i32 to vector<16xi32>
        %eq3A_236 = arith.cmpi eq, %iota3A, %eq3A_235 : vector<16xi32>
        %and3A_237 = vector.broadcast %reduce_or3A_143 : i1 to vector<16xi1>
        %and3A_238 = arith.andi %eq3A_236, %and3A_237 : vector<16xi1>
        %broadcast_in_dim3A_239 = vector.broadcast %reduce_min3A_234 : f32 to vector<16xf32>
        %select_n3A_240 = arith.select %and3A_238, %broadcast_in_dim3A_239, %while3A_122 : vector<16xi1>, vector<16xf32>
        scf.yield %select_n3A_240, %gather3A_132, %gather3A_133 : vector<16xf32>, vector<16xf32>, vector<16xi32>
      }
      %while3A_108 = arith.constant 1 : i32
      %while3A_109:3 = scf.for %while3A_121 = %while3A_105 to %while3A_101 step %while3A_108 iter_args(%while3A_122 = %while3A_107#0, %while3A_123 = %while3A_107#1, %while3A_124 = %while3A_107#2) -> (vector<16xf32>, vector<16xf32>, vector<16xi32>)  : i32 {
        %add3A_125 = arith.constant 4096 : i32
        %add3A_126 = arith.addi %add3A_125, %while3A_121 : i32
        %add3A_127 = arith.constant 1 : i32
        %add3A_128 = arith.addi %add3A_126, %add3A_127 : i32
        %min3A_129 = arith.constant 16383 : i32
        %min3A_130 = arith.minsi %add3A_128, %min3A_129 : i32
        %broadcast_in_dim3A_131 = vector.broadcast %min3A_130 : i32 to vector<16xi32>
        %gather3A_132 = tpu.vector_load_idx %arg8[%broadcast_in_dim3A_131] : memref<16384xf32, #tpu.memory_space<vmem>>[vector<16xi32>], vector<16xf32>,
        %gather3A_133 = tpu.vector_load_idx %arg9[%broadcast_in_dim3A_131] : memref<16384xi32, #tpu.memory_space<vmem>>[vector<16xi32>], vector<16xi32>,
        %gt3A = arith.cmpf ogt, %while3A_123, %while3A_122 : vector<16xf32>
        %reduce_or3A = arith.constant 1.000000e+00 : f32
        %reduce_or3A_134 = arith.constant 0.000000e+00 : f32
        %reduce_or3A_135 = vector.broadcast %reduce_or3A : f32 to vector<16xf32>
        %reduce_or3A_136 = vector.broadcast %reduce_or3A_134 : f32 to vector<16xf32>
        %reduce_or3A_137 = arith.select %gt3A, %reduce_or3A_135, %reduce_or3A_136 : vector<16xi1>, vector<16xf32>
        %reduce_or3A_138 = arith.constant true
        %reduce_or3A_139 = vector.broadcast %reduce_or3A_138 : i1 to vector<16xi1>
        %reduce_or3A_140 = tpu.scan <max>, %reduce_or3A_137 masked %reduce_or3A_139 : vector<16xf32>, vector<16xi1> -> vector<16xf32>
        %reduce_or3A_141 = vector.extract %reduce_or3A_140[15] : f32 from vector<16xf32>
        %reduce_or3A_142 = arith.constant 0.000000e+00 : f32
        %reduce_or3A_143 = arith.cmpf ogt, %reduce_or3A_141, %reduce_or3A_142 : f32
        %reduce_min3A = arith.constant true
        %reduce_min3A_144 = vector.broadcast %reduce_min3A : i1 to vector<16xi1>
        %reduce_min3A_145 = tpu.scan <min>, %while3A_122 masked %reduce_min3A_144 : vector<16xf32>, vector<16xi1> -> vector<16xf32>
        %reduce_min3A_146 = vector.extract %reduce_min3A_145[15] : f32 from vector<16xf32>
        %eq3A_147 = vector.broadcast %reduce_min3A_146 : f32 to vector<16xf32>
        %eq3A_148 = arith.cmpf oeq, %while3A_122, %eq3A_147 : vector<16xf32>
        %jit3A_149 = arith.constant 16 : i32
        %broadcast_in_dim3A_150 = vector.broadcast %jit3A_149 : i32 to vector<16xi32>
        %select_n3A_151 = arith.select %eq3A_148, %iota3A, %broadcast_in_dim3A_150 : vector<16xi1>, vector<16xi32>
        %reduce_min3A_152 = arith.constant true
        %reduce_min3A_153 = vector.broadcast %reduce_min3A_152 : i1 to vector<16xi1>
        %reduce_min3A_154 = arith.constant -2147483648 : i32
        %reduce_min3A_155 = vector.broadcast %reduce_min3A_154 : i32 to vector<16xi32>
        %reduce_min3A_156 = arith.xori %select_n3A_151, %reduce_min3A_155 : vector<16xi32>
        %reduce_min3A_157 = tpu.scan <min>, %reduce_min3A_156 masked %reduce_min3A_153 : vector<16xi32>, vector<16xi1> -> vector<16xi32>
        %reduce_min3A_158 = arith.xori %reduce_min3A_157, %reduce_min3A_155 : vector<16xi32>
        %reduce_min3A_159 = vector.extract %reduce_min3A_158[15] : i32 from vector<16xi32>
        %mul3A_160 = arith.constant 16 : i32
        %mul3A_161 = arith.muli %reduce_min3A_159, %mul3A_160 : i32
        %get3A = arith.index_cast %mul3A_161 : i32 to index
        %get3A_162 = tpu.vector_load %arg12[%get3A] {strides = array<i32>} : memref<256xf32, #tpu.memory_space<vmem>>, vector<16xf32>,
        %eq3A_163 = vector.broadcast %reduce_min3A_146 : f32 to vector<16xf32>
        %eq3A_164 = arith.cmpf oeq, %get3A_162, %eq3A_163 : vector<16xf32>
        %jit3A_165 = arith.constant 16 : i32
        %broadcast_in_dim3A_166 = vector.broadcast %jit3A_165 : i32 to vector<16xi32>
        %select_n3A_167 = arith.select %eq3A_164, %iota3A, %broadcast_in_dim3A_166 : vector<16xi1>, vector<16xi32>
        %reduce_min3A_168 = arith.constant true
        %reduce_min3A_169 = vector.broadcast %reduce_min3A_168 : i1 to vector<16xi1>
        %reduce_min3A_170 = arith.constant -2147483648 : i32
        %reduce_min3A_171 = vector.broadcast %reduce_min3A_170 : i32 to vector<16xi32>
        %reduce_min3A_172 = arith.xori %select_n3A_167, %reduce_min3A_171 : vector<16xi32>
        %reduce_min3A_173 = tpu.scan <min>, %reduce_min3A_172 masked %reduce_min3A_169 : vector<16xi32>, vector<16xi1> -> vector<16xi32>
        %reduce_min3A_174 = arith.xori %reduce_min3A_173, %reduce_min3A_171 : vector<16xi32>
        %reduce_min3A_175 = vector.extract %reduce_min3A_174[15] : i32 from vector<16xi32>
        %mul3A_176 = arith.constant 16 : i32
        %mul3A_177 = arith.muli %reduce_min3A_159, %mul3A_176 : i32
        %add3A_178 = arith.addi %mul3A_177, %reduce_min3A_175 : i32
        %mul3A_179 = arith.constant 16 : i32
        %mul3A_180 = arith.muli %add3A_178, %mul3A_179 : i32
        %get3A_181 = arith.index_cast %mul3A_180 : i32 to index
        %get3A_182 = tpu.vector_load %arg10[%get3A_181] {strides = array<i32>} : memref<4096xf32, #tpu.memory_space<vmem>>, vector<16xf32>,
        %eq3A_183 = vector.broadcast %reduce_min3A_146 : f32 to vector<16xf32>
        %eq3A_184 = arith.cmpf oeq, %get3A_182, %eq3A_183 : vector<16xf32>
        %jit3A_185 = arith.constant 16 : i32
        %broadcast_in_dim3A_186 = vector.broadcast %jit3A_185 : i32 to vector<16xi32>
        %select_n3A_187 = arith.select %eq3A_184, %iota3A, %broadcast_in_dim3A_186 : vector<16xi1>, vector<16xi32>
        %reduce_min3A_188 = arith.constant true
        %reduce_min3A_189 = vector.broadcast %reduce_min3A_188 : i1 to vector<16xi1>
        %reduce_min3A_190 = arith.constant -2147483648 : i32
        %reduce_min3A_191 = vector.broadcast %reduce_min3A_190 : i32 to vector<16xi32>
        %reduce_min3A_192 = arith.xori %select_n3A_187, %reduce_min3A_191 : vector<16xi32>
        %reduce_min3A_193 = tpu.scan <min>, %reduce_min3A_192 masked %reduce_min3A_189 : vector<16xi32>, vector<16xi1> -> vector<16xi32>
        %reduce_min3A_194 = arith.xori %reduce_min3A_193, %reduce_min3A_191 : vector<16xi32>
        %reduce_min3A_195 = vector.extract %reduce_min3A_194[15] : i32 from vector<16xi32>
        %eq3A_196 = vector.broadcast %reduce_min3A_195 : i32 to vector<16xi32>
        %eq3A_197 = arith.cmpi eq, %iota3A, %eq3A_196 : vector<16xi32>
        %and3A = vector.broadcast %reduce_or3A_143 : i1 to vector<16xi1>
        %and3A_198 = arith.andi %eq3A_197, %and3A : vector<16xi1>
        %select_n3A_199 = arith.select %and3A_198, %while3A_123, %get3A_182 : vector<16xi1>, vector<16xf32>
        %mul3A_200 = arith.constant 16 : i32
        %mul3A_201 = arith.muli %add3A_178, %mul3A_200 : i32
        %swap3A_202 = arith.index_cast %mul3A_201 : i32 to index
        %swap3A_203 = tpu.vector_load %arg10[%swap3A_202] {strides = array<i32>} : memref<4096xf32, #tpu.memory_space<vmem>>, vector<16xf32>,
        tpu.vector_store %arg10[%swap3A_202], %select_n3A_199 {strides = array<i32>} : memref<4096xf32, #tpu.memory_space<vmem>>, vector<16xf32>,
        %mul3A_204 = arith.constant 16 : i32
        %mul3A_205 = arith.muli %add3A_178, %mul3A_204 : i32
        %get3A_206 = arith.index_cast %mul3A_205 : i32 to index
        %get3A_207 = tpu.vector_load %arg11[%get3A_206] {strides = array<i32>} : memref<4096xi32, #tpu.memory_space<vmem>>, vector<16xi32>,
        %eq3A_208 = vector.broadcast %reduce_min3A_195 : i32 to vector<16xi32>
        %eq3A_209 = arith.cmpi eq, %iota3A, %eq3A_208 : vector<16xi32>
        %and3A_210 = vector.broadcast %reduce_or3A_143 : i1 to vector<16xi1>
        %and3A_211 = arith.andi %eq3A_209, %and3A_210 : vector<16xi1>
        %select_n3A_212 = arith.select %and3A_211, %while3A_124, %get3A_207 : vector<16xi1>, vector<16xi32>
        %mul3A_213 = arith.constant 16 : i32
        %mul3A_214 = arith.muli %add3A_178, %mul3A_213 : i32
        %swap3A_215 = arith.index_cast %mul3A_214 : i32 to index
        %swap3A_216 = tpu.vector_load %arg11[%swap3A_215] {strides = array<i32>} : memref<4096xi32, #tpu.memory_space<vmem>>, vector<16xi32>,
        tpu.vector_store %arg11[%swap3A_215], %select_n3A_212 {strides = array<i32>} : memref<4096xi32, #tpu.memory_space<vmem>>, vector<16xi32>,
        %reduce_min3A_217 = arith.constant true
        %reduce_min3A_218 = vector.broadcast %reduce_min3A_217 : i1 to vector<16xi1>
        %reduce_min3A_219 = tpu.scan <min>, %select_n3A_199 masked %reduce_min3A_218 : vector<16xf32>, vector<16xi1> -> vector<16xf32>
        %reduce_min3A_220 = vector.extract %reduce_min3A_219[15] : f32 from vector<16xf32>
        %eq3A_221 = vector.broadcast %reduce_min3A_175 : i32 to vector<16xi32>
        %eq3A_222 = arith.cmpi eq, %iota3A, %eq3A_221 : vector<16xi32>
        %and3A_223 = vector.broadcast %reduce_or3A_143 : i1 to vector<16xi1>
        %and3A_224 = arith.andi %eq3A_222, %and3A_223 : vector<16xi1>
        %broadcast_in_dim3A_225 = vector.broadcast %reduce_min3A_220 : f32 to vector<16xf32>
        %select_n3A_226 = arith.select %and3A_224, %broadcast_in_dim3A_225, %get3A_162 : vector<16xi1>, vector<16xf32>
        %mul3A_227 = arith.constant 16 : i32
        %mul3A_228 = arith.muli %reduce_min3A_159, %mul3A_227 : i32
        %swap3A_229 = arith.index_cast %mul3A_228 : i32 to index
        %swap3A_230 = tpu.vector_load %arg12[%swap3A_229] {strides = array<i32>} : memref<256xf32, #tpu.memory_space<vmem>>, vector<16xf32>,
        tpu.vector_store %arg12[%swap3A_229], %select_n3A_226 {strides = array<i32>} : memref<256xf32, #tpu.memory_space<vmem>>, vector<16xf32>,
        %reduce_min3A_231 = arith.constant true
        %reduce_min3A_232 = vector.broadcast %reduce_min3A_231 : i1 to vector<16xi1>
        %reduce_min3A_233 = tpu.scan <min>, %select_n3A_226 masked %reduce_min3A_232 : vector<16xf32>, vector<16xi1> -> vector<16xf32>
        %reduce_min3A_234 = vector.extract %reduce_min3A_233[15] : f32 from vector<16xf32>
        %eq3A_235 = vector.broadcast %reduce_min3A_159 : i32 to vector<16xi32>
        %eq3A_236 = arith.cmpi eq, %iota3A, %eq3A_235 : vector<16xi32>
        %and3A_237 = vector.broadcast %reduce_or3A_143 : i1 to vector<16xi1>
        %and3A_238 = arith.andi %eq3A_236, %and3A_237 : vector<16xi1>
        %broadcast_in_dim3A_239 = vector.broadcast %reduce_min3A_234 : f32 to vector<16xf32>
        %select_n3A_240 = arith.select %and3A_238, %broadcast_in_dim3A_239, %while3A_122 : vector<16xi1>, vector<16xf32>
        scf.yield %select_n3A_240, %gather3A_132, %gather3A_133 : vector<16xf32>, vector<16xf32>, vector<16xi32>
      }
      %eq3A_110 = arith.constant 0 : i32
      %eq3A_111 = vector.broadcast %eq3A_110 : i32 to vector<16xi32>
      %eq3A_112 = arith.cmpi eq, %iota3A, %eq3A_111 : vector<16xi32>
      %eq3A_113 = arith.constant 1 : i32
      %eq3A_114 = vector.broadcast %eq3A_113 : i32 to vector<16xi32>
      %eq3A_115 = arith.cmpi eq, %iota3A, %eq3A_114 : vector<16xi32>
      %jit3A = arith.constant 0 : i32
      %broadcast_in_dim3A_116 = vector.broadcast %reduce_max3A_77 : i32 to vector<16xi32>
      %broadcast_in_dim3A_117 = vector.broadcast %jit3A : i32 to vector<16xi32>
      %select_n3A = arith.select %eq3A_115, %broadcast_in_dim3A_116, %broadcast_in_dim3A_117 : vector<16xi1>, vector<16xi32>
      %broadcast_in_dim3A_118 = vector.broadcast %min3A_78 : i32 to vector<16xi32>
      %select_n3A_119 = arith.select %eq3A_112, %broadcast_in_dim3A_118, %select_n3A : vector<16xi1>, vector<16xi32>
      %swap3A = arith.constant 0 : index
      %swap3A_120 = tpu.vector_load %arg13[%swap3A] {strides = array<i32>} : memref<16xi32, #tpu.memory_space<vmem>>, vector<16xi32>,
      tpu.vector_store %arg13[%swap3A], %select_n3A_119 {strides = array<i32>} : memref<16xi32, #tpu.memory_space<vmem>>, vector<16xi32>,
      tpu.enqueue_dma source(%arg10 : memref<4096xf32, #tpu.memory_space<vmem>>) target(%arg4 : memref<4096xf32, #tpu.memory_space<hbm>>) target_semaphore(%arg14 : memref<!tpu.dma_semaphore, #tpu.memory_space<semaphore_mem>>)
      tpu.enqueue_dma source(%arg11 : memref<4096xi32, #tpu.memory_space<vmem>>) target(%arg5 : memref<4096xi32, #tpu.memory_space<hbm>>) target_semaphore(%arg14 : memref<!tpu.dma_semaphore, #tpu.memory_space<semaphore_mem>>)
      tpu.enqueue_dma source(%arg13 : memref<16xi32, #tpu.memory_space<vmem>>) target(%arg6 : memref<16xi32, #tpu.memory_space<hbm>>) target_semaphore(%arg14 : memref<!tpu.dma_semaphore, #tpu.memory_space<semaphore_mem>>)
      tpu.wait_dma2 semaphore(%arg14 : memref<!tpu.dma_semaphore, #tpu.memory_space<semaphore_mem>>) src(%arg10 : memref<4096xf32, #tpu.memory_space<vmem>>) dst(%arg4 : memref<4096xf32, #tpu.memory_space<hbm>>)
      tpu.wait_dma2 semaphore(%arg14 : memref<!tpu.dma_semaphore, #tpu.memory_space<semaphore_mem>>) src(%arg11 : memref<4096xi32, #tpu.memory_space<vmem>>) dst(%arg5 : memref<4096xi32, #tpu.memory_space<hbm>>)
      tpu.wait_dma2 semaphore(%arg14 : memref<!tpu.dma_semaphore, #tpu.memory_space<semaphore_mem>>) src(%arg13 : memref<16xi32, #tpu.memory_space<vmem>>) dst(%arg6 : memref<16xi32, #tpu.memory_space<hbm>>)
    } else {
    }
    return
  }
}

#map = affine_map<(d0, d1) -> (0, 0)>
#map1 = affine_map<(d0, d1) -> (0)>
module attributes {stable_mosaic.version = 14 : i64} {
  func.func @_k2(%arg0: i32, %arg1: i32, %arg2: memref<16384x128xf32, #tpu.memory_space<hbm>>, %arg3: memref<4096x128xf32, #tpu.memory_space<hbm>>, %arg4: memref<4096xi32, #tpu.memory_space<hbm>>, %arg5: memref<16xi32, #tpu.memory_space<hbm>>, %arg6: memref<4096x128xf32, #tpu.memory_space<hbm>>, %arg7: memref<128xi32, #tpu.memory_space<vmem>>, %arg8: memref<128x128xf32, #tpu.memory_space<vmem>>, %arg9: memref<128x128xf32, #tpu.memory_space<vmem>>, %arg10: memref<16xi32, #tpu.memory_space<vmem>>, %arg11: memref<!tpu.dma_semaphore, #tpu.memory_space<semaphore_mem>>) attributes {dimension_semantics = [#tpu.dimension_semantics<core_parallel>, #tpu.dimension_semantics<subcore_parallel>], iteration_bounds = array<i64: 2, 16>, scalar_prefetch = 0 : i64, scratch_operands = 5 : i64, tpu.core_type = #tpu.core_type<sc_vector_subcore>, window_params = [{transform_indices = #map}, {transform_indices = #map}, {transform_indices = #map1}, {transform_indices = #map1}, {transform_indices = #map}]} {
    %mul3A = arith.constant 2 : i32
    %mul3A_0 = arith.muli %arg1, %mul3A : i32
    %add3A = arith.addi %mul3A_0, %arg0 : i32
    %mul3A_1 = arith.constant 128 : i32
    %mul3A_2 = arith.muli %add3A, %mul3A_1 : i32
    %iota3A = tpu.iota {dimensions = array<i32: 0>} : vector<16xi32>
    "tpu.region"() ({
      %run_scoped3A = tpu.sem_alloc : memref<!tpu.dma_semaphore, #tpu.memory_space<semaphore_mem>>
      %dma_start3A = tpu.memref_slice %arg4[%mul3A_2] : memref<4096xi32, #tpu.memory_space<hbm>> -> memref<128xi32, #tpu.memory_space<hbm>>
      %dma_start3A_24 = tpu.memref_slice %arg4[%mul3A_2] : memref<4096xi32, #tpu.memory_space<hbm>> -> memref<128xi32, #tpu.memory_space<hbm>>
      tpu.enqueue_dma source(%dma_start3A_24 : memref<128xi32, #tpu.memory_space<hbm>>) target(%arg7 : memref<128xi32, #tpu.memory_space<vmem>>) target_semaphore(%run_scoped3A : memref<!tpu.dma_semaphore, #tpu.memory_space<semaphore_mem>>)
      %dma_wait3A = tpu.memref_slice %arg4[%mul3A_2] : memref<4096xi32, #tpu.memory_space<hbm>> -> memref<128xi32, #tpu.memory_space<hbm>>
      %dma_wait3A_25 = tpu.memref_slice %arg4[%mul3A_2] : memref<4096xi32, #tpu.memory_space<hbm>> -> memref<128xi32, #tpu.memory_space<hbm>>
      tpu.wait_dma2 semaphore(%run_scoped3A : memref<!tpu.dma_semaphore, #tpu.memory_space<semaphore_mem>>) src(%dma_wait3A_25 : memref<128xi32, #tpu.memory_space<hbm>>) dst(%arg7 : memref<128xi32, #tpu.memory_space<vmem>>)
      tpu.yield
    }) : () -> ()
    "tpu.region"() ({
      %run_scoped3A = tpu.sem_alloc : memref<!tpu.dma_semaphore, #tpu.memory_space<semaphore_mem>>
      tpu.enqueue_dma source(%arg5 : memref<16xi32, #tpu.memory_space<hbm>>) target(%arg10 : memref<16xi32, #tpu.memory_space<vmem>>) target_semaphore(%run_scoped3A : memref<!tpu.dma_semaphore, #tpu.memory_space<semaphore_mem>>)
      tpu.wait_dma2 semaphore(%run_scoped3A : memref<!tpu.dma_semaphore, #tpu.memory_space<semaphore_mem>>) src(%arg5 : memref<16xi32, #tpu.memory_space<hbm>>) dst(%arg10 : memref<16xi32, #tpu.memory_space<vmem>>)
      tpu.yield
    }) : () -> ()
    %get3A = arith.constant 0 : index
    %get3A_3 = tpu.vector_load %arg10[%get3A] {strides = array<i32>} : memref<16xi32, #tpu.memory_space<vmem>>, vector<16xi32>,
    %eq3A = arith.constant 0 : i32
    %eq3A_4 = vector.broadcast %eq3A : i32 to vector<16xi32>
    %eq3A_5 = arith.cmpi eq, %iota3A, %eq3A_4 : vector<16xi32>
    %jit3A = arith.constant -2147483648 : i32
    %broadcast_in_dim3A = vector.broadcast %jit3A : i32 to vector<16xi32>
    %select_n3A = arith.select %eq3A_5, %get3A_3, %broadcast_in_dim3A : vector<16xi1>, vector<16xi32>
    %reduce_max3A = arith.constant true
    %reduce_max3A_6 = vector.broadcast %reduce_max3A : i1 to vector<16xi1>
    %reduce_max3A_7 = arith.constant -2147483648 : i32
    %reduce_max3A_8 = vector.broadcast %reduce_max3A_7 : i32 to vector<16xi32>
    %reduce_max3A_9 = arith.xori %select_n3A, %reduce_max3A_8 : vector<16xi32>
    %reduce_max3A_10 = tpu.scan <max>, %reduce_max3A_9 masked %reduce_max3A_6 : vector<16xi32>, vector<16xi1> -> vector<16xi32>
    %reduce_max3A_11 = arith.xori %reduce_max3A_10, %reduce_max3A_8 : vector<16xi32>
    %reduce_max3A_12 = vector.extract %reduce_max3A_11[15] : i32 from vector<16xi32>
    %add3A_13 = arith.constant 128 : i32
    %add3A_14 = arith.addi %mul3A_2, %add3A_13 : i32
    %le3A = arith.cmpi sle, %add3A_14, %reduce_max3A_12 : i32
    %convert_element_type3A = arith.extui %le3A : i1 to i32
    %cond3A = arith.constant 0 : i32
    %cond3A_15 = arith.cmpi ne, %convert_element_type3A, %cond3A : i32
    scf.if %cond3A_15 {
      %dma_start3A = arith.constant 0 : i32
      %dma_start3A_24 = arith.constant 0 : i32
      %dma_start3A_25 = tpu.memref_slice %arg2[%dma_start3A, %dma_start3A_24] : memref<16384x128xf32, #tpu.memory_space<hbm>> -> memref<16384x128xf32, #tpu.memory_space<hbm>>
      tpu.enqueue_indirect_dma source(%dma_start3A_25 : memref<16384x128xf32, #tpu.memory_space<hbm>>) target(%arg8 : memref<128x128xf32, #tpu.memory_space<vmem>>) offsets(%arg7 : memref<128xi32, #tpu.memory_space<vmem>>) semaphore(%arg11 : memref<!tpu.dma_semaphore, #tpu.memory_space<semaphore_mem>>)
      %dma_wait3A = arith.constant 0 : i32
      %dma_wait3A_26 = arith.constant 0 : i32
      %dma_wait3A_27 = tpu.memref_slice %arg2[%dma_wait3A, %dma_wait3A_26] : memref<16384x128xf32, #tpu.memory_space<hbm>> -> memref<16384x128xf32, #tpu.memory_space<hbm>>
      tpu.wait_indirect_dma semaphore(%arg11 : memref<!tpu.dma_semaphore, #tpu.memory_space<semaphore_mem>>) src(%dma_wait3A_27 : memref<16384x128xf32, #tpu.memory_space<hbm>>) dst(%arg8 : memref<128x128xf32, #tpu.memory_space<vmem>>)
      "tpu.region"() ({
        %run_scoped3A = tpu.sem_alloc : memref<!tpu.dma_semaphore, #tpu.memory_space<semaphore_mem>>
        %dma_start3A_28 = arith.constant 0 : i32
        %dma_start3A_29 = tpu.memref_slice %arg6[%mul3A_2, %dma_start3A_28] : memref<4096x128xf32, #tpu.memory_space<hbm>> -> memref<128x128xf32, #tpu.memory_space<hbm>>
        %dma_start3A_30 = arith.constant 0 : i32
        %dma_start3A_31 = tpu.memref_slice %arg6[%mul3A_2, %dma_start3A_30] : memref<4096x128xf32, #tpu.memory_space<hbm>> -> memref<128x128xf32, #tpu.memory_space<hbm>>
        tpu.enqueue_dma source(%arg8 : memref<128x128xf32, #tpu.memory_space<vmem>>) target(%dma_start3A_31 : memref<128x128xf32, #tpu.memory_space<hbm>>) target_semaphore(%run_scoped3A : memref<!tpu.dma_semaphore, #tpu.memory_space<semaphore_mem>>)
        %dma_wait3A_32 = arith.constant 0 : i32
        %dma_wait3A_33 = tpu.memref_slice %arg6[%mul3A_2, %dma_wait3A_32] : memref<4096x128xf32, #tpu.memory_space<hbm>> -> memref<128x128xf32, #tpu.memory_space<hbm>>
        %dma_wait3A_34 = arith.constant 0 : i32
        %dma_wait3A_35 = tpu.memref_slice %arg6[%mul3A_2, %dma_wait3A_34] : memref<4096x128xf32, #tpu.memory_space<hbm>> -> memref<128x128xf32, #tpu.memory_space<hbm>>
        tpu.wait_dma2 semaphore(%run_scoped3A : memref<!tpu.dma_semaphore, #tpu.memory_space<semaphore_mem>>) src(%arg8 : memref<128x128xf32, #tpu.memory_space<vmem>>) dst(%dma_wait3A_35 : memref<128x128xf32, #tpu.memory_space<hbm>>)
        tpu.yield
      }) : () -> ()
    } else {
    }
    %ge3A = arith.cmpi sge, %mul3A_2, %reduce_max3A_12 : i32
    %convert_element_type3A_16 = arith.extui %ge3A : i1 to i32
    %cond3A_17 = arith.constant 0 : i32
    %cond3A_18 = arith.cmpi ne, %convert_element_type3A_16, %cond3A_17 : i32
    scf.if %cond3A_18 {
      "tpu.region"() ({
        %run_scoped3A = tpu.sem_alloc : memref<!tpu.dma_semaphore, #tpu.memory_space<semaphore_mem>>
        %dma_start3A = arith.constant 0 : i32
        %dma_start3A_24 = tpu.memref_slice %arg3[%mul3A_2, %dma_start3A] : memref<4096x128xf32, #tpu.memory_space<hbm>> -> memref<128x128xf32, #tpu.memory_space<hbm>>
        %dma_start3A_25 = arith.constant 0 : i32
        %dma_start3A_26 = tpu.memref_slice %arg3[%mul3A_2, %dma_start3A_25] : memref<4096x128xf32, #tpu.memory_space<hbm>> -> memref<128x128xf32, #tpu.memory_space<hbm>>
        tpu.enqueue_dma source(%dma_start3A_26 : memref<128x128xf32, #tpu.memory_space<hbm>>) target(%arg8 : memref<128x128xf32, #tpu.memory_space<vmem>>) target_semaphore(%run_scoped3A : memref<!tpu.dma_semaphore, #tpu.memory_space<semaphore_mem>>)
        %dma_wait3A = arith.constant 0 : i32
        %dma_wait3A_27 = tpu.memref_slice %arg3[%mul3A_2, %dma_wait3A] : memref<4096x128xf32, #tpu.memory_space<hbm>> -> memref<128x128xf32, #tpu.memory_space<hbm>>
        %dma_wait3A_28 = arith.constant 0 : i32
        %dma_wait3A_29 = tpu.memref_slice %arg3[%mul3A_2, %dma_wait3A_28] : memref<4096x128xf32, #tpu.memory_space<hbm>> -> memref<128x128xf32, #tpu.memory_space<hbm>>
        tpu.wait_dma2 semaphore(%run_scoped3A : memref<!tpu.dma_semaphore, #tpu.memory_space<semaphore_mem>>) src(%dma_wait3A_29 : memref<128x128xf32, #tpu.memory_space<hbm>>) dst(%arg8 : memref<128x128xf32, #tpu.memory_space<vmem>>)
        tpu.yield
      }) : () -> ()
      "tpu.region"() ({
        %run_scoped3A = tpu.sem_alloc : memref<!tpu.dma_semaphore, #tpu.memory_space<semaphore_mem>>
        %dma_start3A = arith.constant 0 : i32
        %dma_start3A_24 = tpu.memref_slice %arg6[%mul3A_2, %dma_start3A] : memref<4096x128xf32, #tpu.memory_space<hbm>> -> memref<128x128xf32, #tpu.memory_space<hbm>>
        %dma_start3A_25 = arith.constant 0 : i32
        %dma_start3A_26 = tpu.memref_slice %arg6[%mul3A_2, %dma_start3A_25] : memref<4096x128xf32, #tpu.memory_space<hbm>> -> memref<128x128xf32, #tpu.memory_space<hbm>>
        tpu.enqueue_dma source(%arg8 : memref<128x128xf32, #tpu.memory_space<vmem>>) target(%dma_start3A_26 : memref<128x128xf32, #tpu.memory_space<hbm>>) target_semaphore(%run_scoped3A : memref<!tpu.dma_semaphore, #tpu.memory_space<semaphore_mem>>)
        %dma_wait3A = arith.constant 0 : i32
        %dma_wait3A_27 = tpu.memref_slice %arg6[%mul3A_2, %dma_wait3A] : memref<4096x128xf32, #tpu.memory_space<hbm>> -> memref<128x128xf32, #tpu.memory_space<hbm>>
        %dma_wait3A_28 = arith.constant 0 : i32
        %dma_wait3A_29 = tpu.memref_slice %arg6[%mul3A_2, %dma_wait3A_28] : memref<4096x128xf32, #tpu.memory_space<hbm>> -> memref<128x128xf32, #tpu.memory_space<hbm>>
        tpu.wait_dma2 semaphore(%run_scoped3A : memref<!tpu.dma_semaphore, #tpu.memory_space<semaphore_mem>>) src(%arg8 : memref<128x128xf32, #tpu.memory_space<vmem>>) dst(%dma_wait3A_29 : memref<128x128xf32, #tpu.memory_space<hbm>>)
        tpu.yield
      }) : () -> ()
    } else {
    }
    %lt3A = arith.cmpi slt, %mul3A_2, %reduce_max3A_12 : i32
    %add3A_19 = arith.constant 128 : i32
    %add3A_20 = arith.addi %mul3A_2, %add3A_19 : i32
    %gt3A = arith.cmpi sgt, %add3A_20, %reduce_max3A_12 : i32
    %and3A = arith.andi %lt3A, %gt3A : i1
    %convert_element_type3A_21 = arith.extui %and3A : i1 to i32
    %cond3A_22 = arith.constant 0 : i32
    %cond3A_23 = arith.cmpi ne, %convert_element_type3A_21, %cond3A_22 : i32
    scf.if %cond3A_23 {
      %scan3A = arith.constant 0 : i32
      %scan3A_24 = arith.constant 0 : i32
      %scan3A_25 = arith.constant 8 : i32
      %scan3A_26 = arith.addi %scan3A_24, %scan3A_25 : i32
      %scan3A_27 = arith.constant 1 : i32
      %scan3A_28 = scf.for %scan3A_41 = %scan3A_24 to %scan3A_26 step %scan3A_27 iter_args(%scan3A_42 = %scan3A) -> (i32)  : i32 {
        %mul3A_43 = arith.constant 16 : i32
        %mul3A_44 = arith.muli %scan3A_41, %mul3A_43 : i32
        %get3A_45 = arith.index_cast %mul3A_44 : i32 to index
        %get3A_46 = tpu.vector_load %arg7[%get3A_45] {strides = array<i32>} : memref<128xi32, #tpu.memory_space<vmem>>, vector<16xi32>,
        %max3A = arith.constant 0 : i32
        %max3A_47 = vector.broadcast %max3A : i32 to vector<16xi32>
        %max3A_48 = arith.maxsi %get3A_46, %max3A_47 : vector<16xi32>
        %mul3A_49 = arith.constant 16 : i32
        %mul3A_50 = arith.muli %scan3A_41, %mul3A_49 : i32
        %swap3A = arith.index_cast %mul3A_50 : i32 to index
        %swap3A_51 = tpu.vector_load %arg7[%swap3A] {strides = array<i32>} : memref<128xi32, #tpu.memory_space<vmem>>, vector<16xi32>,
        tpu.vector_store %arg7[%swap3A], %max3A_48 {strides = array<i32>} : memref<128xi32, #tpu.memory_space<vmem>>, vector<16xi32>,
        %scan3A_52 = arith.constant 0 : i32
        scf.yield %scan3A_52 : i32
      }
      %scan3A_29 = arith.constant 8 : i32
      %dma_start3A = arith.constant 0 : i32
      %dma_start3A_30 = arith.constant 0 : i32
      %dma_start3A_31 = tpu.memref_slice %arg2[%dma_start3A, %dma_start3A_30] : memref<16384x128xf32, #tpu.memory_space<hbm>> -> memref<16384x128xf32, #tpu.memory_space<hbm>>
      tpu.enqueue_indirect_dma source(%dma_start3A_31 : memref<16384x128xf32, #tpu.memory_space<hbm>>) target(%arg8 : memref<128x128xf32, #tpu.memory_space<vmem>>) offsets(%arg7 : memref<128xi32, #tpu.memory_space<vmem>>) semaphore(%arg11 : memref<!tpu.dma_semaphore, #tpu.memory_space<semaphore_mem>>)
      %dma_wait3A = arith.constant 0 : i32
      %dma_wait3A_32 = arith.constant 0 : i32
      %dma_wait3A_33 = tpu.memref_slice %arg2[%dma_wait3A, %dma_wait3A_32] : memref<16384x128xf32, #tpu.memory_space<hbm>> -> memref<16384x128xf32, #tpu.memory_space<hbm>>
      tpu.wait_indirect_dma semaphore(%arg11 : memref<!tpu.dma_semaphore, #tpu.memory_space<semaphore_mem>>) src(%dma_wait3A_33 : memref<16384x128xf32, #tpu.memory_space<hbm>>) dst(%arg8 : memref<128x128xf32, #tpu.memory_space<vmem>>)
      "tpu.region"() ({
        %run_scoped3A = tpu.sem_alloc : memref<!tpu.dma_semaphore, #tpu.memory_space<semaphore_mem>>
        %dma_start3A_41 = arith.constant 0 : i32
        %dma_start3A_42 = tpu.memref_slice %arg3[%mul3A_2, %dma_start3A_41] : memref<4096x128xf32, #tpu.memory_space<hbm>> -> memref<128x128xf32, #tpu.memory_space<hbm>>
        %dma_start3A_43 = arith.constant 0 : i32
        %dma_start3A_44 = tpu.memref_slice %arg3[%mul3A_2, %dma_start3A_43] : memref<4096x128xf32, #tpu.memory_space<hbm>> -> memref<128x128xf32, #tpu.memory_space<hbm>>
        tpu.enqueue_dma source(%dma_start3A_44 : memref<128x128xf32, #tpu.memory_space<hbm>>) target(%arg9 : memref<128x128xf32, #tpu.memory_space<vmem>>) target_semaphore(%run_scoped3A : memref<!tpu.dma_semaphore, #tpu.memory_space<semaphore_mem>>)
        %dma_wait3A_45 = arith.constant 0 : i32
        %dma_wait3A_46 = tpu.memref_slice %arg3[%mul3A_2, %dma_wait3A_45] : memref<4096x128xf32, #tpu.memory_space<hbm>> -> memref<128x128xf32, #tpu.memory_space<hbm>>
        %dma_wait3A_47 = arith.constant 0 : i32
        %dma_wait3A_48 = tpu.memref_slice %arg3[%mul3A_2, %dma_wait3A_47] : memref<4096x128xf32, #tpu.memory_space<hbm>> -> memref<128x128xf32, #tpu.memory_space<hbm>>
        tpu.wait_dma2 semaphore(%run_scoped3A : memref<!tpu.dma_semaphore, #tpu.memory_space<semaphore_mem>>) src(%dma_wait3A_48 : memref<128x128xf32, #tpu.memory_space<hbm>>) dst(%arg9 : memref<128x128xf32, #tpu.memory_space<vmem>>)
        tpu.yield
      }) : () -> ()
      %scan3A_34 = arith.constant 0 : i32
      %scan3A_35 = arith.constant 0 : i32
      %scan3A_36 = arith.constant 128 : i32
      %scan3A_37 = arith.addi %scan3A_35, %scan3A_36 : i32
      %scan3A_38 = arith.constant 1 : i32
      %scan3A_39 = scf.for %scan3A_41 = %scan3A_35 to %scan3A_37 step %scan3A_38 iter_args(%scan3A_42 = %scan3A_34) -> (i32)  : i32 {
        %add3A_43 = arith.addi %mul3A_2, %scan3A_41 : i32
        %ge3A_44 = arith.cmpi sge, %add3A_43, %reduce_max3A_12 : i32
        %convert_element_type3A_45 = arith.extui %ge3A_44 : i1 to i32
        %cond3A_46 = arith.constant 0 : i32
        %cond3A_47 = arith.cmpi ne, %convert_element_type3A_45, %cond3A_46 : i32
        scf.if %cond3A_47 {
          %scan3A_49 = arith.constant 0 : i32
          %scan3A_50 = arith.constant 0 : i32
          %scan3A_51 = arith.constant 8 : i32
          %scan3A_52 = arith.addi %scan3A_50, %scan3A_51 : i32
          %scan3A_53 = arith.constant 1 : i32
          %scan3A_54 = scf.for %scan3A_56 = %scan3A_50 to %scan3A_52 step %scan3A_53 iter_args(%scan3A_57 = %scan3A_49) -> (i32)  : i32 {
            %mul3A_58 = arith.constant 16 : i32
            %mul3A_59 = arith.muli %scan3A_56, %mul3A_58 : i32
            %get3A_60 = arith.index_cast %scan3A_41 : i32 to index
            %get3A_61 = arith.index_cast %mul3A_59 : i32 to index
            %get3A_62 = tpu.vector_load %arg9[%get3A_60, %get3A_61] {strides = array<i32>} : memref<128x128xf32, #tpu.memory_space<vmem>>, vector<16xf32>,
            %mul3A_63 = arith.constant 16 : i32
            %mul3A_64 = arith.muli %scan3A_56, %mul3A_63 : i32
            %swap3A = arith.index_cast %scan3A_41 : i32 to index
            %swap3A_65 = arith.index_cast %mul3A_64 : i32 to index
            %swap3A_66 = tpu.vector_load %arg8[%swap3A, %swap3A_65] {strides = array<i32>} : memref<128x128xf32, #tpu.memory_space<vmem>>, vector<16xf32>,
            tpu.vector_store %arg8[%swap3A, %swap3A_65], %get3A_62 {strides = array<i32>} : memref<128x128xf32, #tpu.memory_space<vmem>>, vector<16xf32>,
            %scan3A_67 = arith.constant 0 : i32
            scf.yield %scan3A_67 : i32
          }
          %scan3A_55 = arith.constant 8 : i32
        } else {
        }
        %scan3A_48 = arith.constant 0 : i32
        scf.yield %scan3A_48 : i32
      }
      %scan3A_40 = arith.constant 128 : i32
      "tpu.region"() ({
        %run_scoped3A = tpu.sem_alloc : memref<!tpu.dma_semaphore, #tpu.memory_space<semaphore_mem>>
        %dma_start3A_41 = arith.constant 0 : i32
        %dma_start3A_42 = tpu.memref_slice %arg6[%mul3A_2, %dma_start3A_41] : memref<4096x128xf32, #tpu.memory_space<hbm>> -> memref<128x128xf32, #tpu.memory_space<hbm>>
        %dma_start3A_43 = arith.constant 0 : i32
        %dma_start3A_44 = tpu.memref_slice %arg6[%mul3A_2, %dma_start3A_43] : memref<4096x128xf32, #tpu.memory_space<hbm>> -> memref<128x128xf32, #tpu.memory_space<hbm>>
        tpu.enqueue_dma source(%arg8 : memref<128x128xf32, #tpu.memory_space<vmem>>) target(%dma_start3A_44 : memref<128x128xf32, #tpu.memory_space<hbm>>) target_semaphore(%run_scoped3A : memref<!tpu.dma_semaphore, #tpu.memory_space<semaphore_mem>>)
        %dma_wait3A_45 = arith.constant 0 : i32
        %dma_wait3A_46 = tpu.memref_slice %arg6[%mul3A_2, %dma_wait3A_45] : memref<4096x128xf32, #tpu.memory_space<hbm>> -> memref<128x128xf32, #tpu.memory_space<hbm>>
        %dma_wait3A_47 = arith.constant 0 : i32
        %dma_wait3A_48 = tpu.memref_slice %arg6[%mul3A_2, %dma_wait3A_47] : memref<4096x128xf32, #tpu.memory_space<hbm>> -> memref<128x128xf32, #tpu.memory_space<hbm>>
        tpu.wait_dma2 semaphore(%run_scoped3A : memref<!tpu.dma_semaphore, #tpu.memory_space<semaphore_mem>>) src(%arg8 : memref<128x128xf32, #tpu.memory_space<vmem>>) dst(%dma_wait3A_48 : memref<128x128xf32, #tpu.memory_space<hbm>>)
        tpu.yield
      }) : () -> ()
    } else {
    }
    return
  }
}

</mosaic_0001>

<sc_bundles>
// kernel: kernel.4.cloned.1.call-start
scs
__scs_entry_jumppad:
0x0: {  	(pc) =	sbr.rel $0x88, $3  }
0x1: {  	(tag) =	ssettag $0x0;
	lr =	simm.s32 $0x1  }
0x2: {  	[smem:$0x3F9D] =	sst lr;
	_ =	strace $0xD0000000  }
0x3: {  	_ = 	snop  }
0x4: {  	_ = 	snop  }
0x5: {  	_ = 	snop  }
0x6: {  	_ = 	snop  }
0x7: {  	_ = 	snop  }
__scs_overlays_trampoline_lowered:
0x8: {  	[smem:$0x3FAC] =	sst s0  }
0x9: {  	[smem:$0x3FAD] =	sst s1  }
0xa: {  	[smem:$0x3FAE] =	sst s2  }
0xb: {  	[smem:$0x3FAF] =	sst s3  }
0xc: {  	[smem:$0x3FB0] =	sst s4  }
0xd: {  	[smem:$0x3FB1] =	sst s5  }
0xe: {  	[smem:$0x3FB2] =	sst s6  }
0xf: {  	[smem:$0x3FB3] =	sst s7  }
0x10: {  	[smem:$0x3FB4] =	sst s8  }
0x11: {  	[smem:$0x3FB5] =	sst s9;
	s0 =	simm.s32 @!p0 $0x0  }
0x12: {  	s1 =	sld [smem:$0x3F9B];
	s0 =	simm.s32 @p0 $0x1  }
0x13: {  	[smem:$0x3FB6] =	sst s0;
	s0 =	simm.s32 @!p1 $0x0  }
0x14: {  	s2 =	sld [smem:$0x3F9A];
	s0 =	simm.s32 @p1 $0x1  }
0x15: {  	[smem:$0x3FB7] =	sst s0;
	s0 =	simm.s32 @!p2 $0x0  }
0x16: {  	s3 =	sld [smem:$0x3FDB];
	s0 =	simm.s32 @p2 $0x1  }
0x17: {  	s4 =	simm.s32 $0x1BF5;
	[smem:$0x3FB9] =	sst s0  }
0x18: {  	s0 =	sld [smem:$0x3F9C];
	_ =	swait.ge [sflag:s4], $0x0  }
0x19: {  	s7 =	sld [smem:$0x3F9D]  }
0x1a: {  	s8 =	sadd.s32 $0xFFFFE003, lr  }
0x1b: {  	s9 =	sadd.s32 $0xFFFFFEF7, lr;
	s5 =	simm.s32 $0xFFFFFFFF;
	p2 =	slt.u32 s8, $0xFFFFF086  }
0x1c: {  	p1 =	slt.u32 s9, $0xF7A;
	s5 =	simm.s32 @!p2 $0x0  }
0x1d: {  	s5 =	simm.s32 @p1 $0x1;
	p0 =	seq.s32 s7, s2  }
0x1e: {  	s7 =	smul.u32 @!p0 $0xF7A, s2;
	p2 =	seq.s32 @!p0 s5, $0x0  }
0x1f: {  	s9 =	smul.u32 $0xF7A, s1;
	s8 =	simm.s32 @!p0 $0x1BF5;
	p2 =	por !p2, p0  }
0x20: {  	[sflag:s8] =	ssyncset.s32 @!p0 $0xFFFFF086;
	s6 =	sadd.s32 @!p0 s3, s7;
	s7 =	simm.s32 @!p0 $0x108  }
0x21: {  	s3 =	sadd.s32 s3, s9;
	s6 =	sadd.s32 @!p0 $0x88, s6;
	s7 =	simm.s32 @p2 $0x1082  }
0x22: {  	[simem:s7], [sflag:s8] =	dma.local @!p0 [hbm:s6], $0xF7A  }
0x23: {  	s9 =	sor.u32 $0xD0000000, s2;
	s6 =	simm.s32 $0x108;
	_ =	swait.ge @!p0 [sflag:s8], $0x0  }
0x24: {  	s3 =	sadd.s32 $0x88, s3;
	s6 =	simm.s32 @!p1 $0x1082;
	[sflag:s4] =	ssyncset.s32 $0xFFFFF086  }
0x25: {  	[simem:s6], [sflag:s4] =	dma.local [hbm:s3], $0xF7A  }
0x26: {  	[smem:$0x3F9D] =	sst s1;
	(tag) =	ssettag s2;
	_ =	strace s9  }
0x27: {  	s1 =	sld [smem:$0x3FAD]  }
0x28: {  	s2 =	sld [smem:$0x3FAE]  }
0x29: {  	s4 =	sld [smem:$0x3FB0]  }
0x2a: {  	p0 =	seq.s32 s5, $0x0;
	s5 =	sld [smem:$0x3FB1]  }
0x2b: {  	s6 =	sld [smem:$0x3FB2]  }
0x2c: {  	s7 =	sld [smem:$0x3FB3]  }
0x2d: {  	s3 =	simm.s32 $0x108;
	s8 =	sld [smem:$0x3FB4]  }
0x2e: {  	s3 =	simm.s32 @!p0 $0x1082;
	s9 =	sld [smem:$0x3FB5]  }
0x2f: {  	lr =	sadd.s32 s0, s3;
	s0 =	sld [smem:$0x3FAC]  }
0x30: {  	s3 =	sld [smem:$0x3FAF]  }
0x31: {  	[smem:$0x3FB8] =	sst s10  }
0x32: {  	s10 =	sld [smem:$0x3FB6];
	_ =	sdelay $0x3  }
0x33: {  	p0 =	seq.s32 s10, $0x1;
	s10 =	sld [smem:$0x3FB8];
	_ =	sdelay $0x3  }
0x34: {  	[smem:$0x3FB8] =	sst s10  }
0x35: {  	s10 =	sld [smem:$0x3FB7];
	_ =	sdelay $0x3  }
0x36: {  	p1 =	seq.s32 s10, $0x1;
	s10 =	sld [smem:$0x3FB8];
	_ =	sdelay $0x3  }
0x37: {  	[smem:$0x3FB8] =	sst s10  }
0x38: {  	s10 =	sld [smem:$0x3FB9]  }
0x39: {  	_ = 	snop;
	(pc) =	sbr.ind lr, $3  }
0x3a: {  	_ = 	snop  }
0x3b: {  	_ = 	snop  }
0x3c: {  	p2 =	seq.s32 s10, $0x1;
	s10 =	sld [smem:$0x3FB8]  }
0x3d: {  	_ =	shalt  }
0x3e: {  	_ =	shalt  }
0x3f: {  	_ =	shalt  }
0x40: {  	_ =	shalt  }
0x41: {  	_ =	shalt  }
0x42: {  	_ =	shalt  }
0x43: {  	_ =	shalt  }
0x44: {  	_ =	shalt  }
0x45: {  	_ =	shalt  }
0x46: {  	_ =	shalt  }
0x47: {  	_ =	shalt  }
0x48: {  	_ =	shalt  }
0x49: {  	_ =	shalt  }
0x4a: {  	_ =	shalt  }
0x4b: {  	_ =	shalt  }
0x4c: {  	_ =	shalt  }
0x4d: {  	_ =	shalt  }
0x4e: {  	_ =	shalt  }
0x4f: {  	_ =	shalt  }
0x50: {  	_ =	shalt  }
0x51: {  	_ =	shalt  }
0x52: {  	_ =	shalt  }
0x53: {  	_ =	shalt  }
0x54: {  	_ =	shalt  }
0x55: {  	_ =	shalt  }
0x56: {  	_ =	shalt  }
0x57: {  	_ =	shalt  }
0x58: {  	_ =	shalt  }
0x59: {  	_ =	shalt  }
0x5a: {  	_ =	shalt  }
0x5b: {  	_ =	shalt  }
0x5c: {  	_ =	shalt  }
0x5d: {  	_ =	shalt  }
0x5e: {  	_ =	shalt  }
0x5f: {  	_ =	shalt  }
0x60: {  	_ =	shalt  }
0x61: {  	_ =	shalt  }
0x62: {  	_ =	shalt  }
0x63: {  	_ =	shalt  }
0x64: {  	_ =	shalt  }
0x65: {  	_ =	shalt  }
0x66: {  	_ =	shalt  }
0x67: {  	_ =	shalt  }
0x68: {  	_ =	shalt  }
0x69: {  	_ =	shalt  }
0x6a: {  	_ =	shalt  }
0x6b: {  	_ =	shalt  }
0x6c: {  	_ =	shalt  }
0x6d: {  	_ =	shalt  }
0x6e: {  	_ =	shalt  }
0x6f: {  	_ =	shalt  }
0x70: {  	_ =	shalt  }
0x71: {  	_ =	shalt  }
0x72: {  	_ =	shalt  }
0x73: {  	_ =	shalt  }
0x74: {  	_ =	shalt  }
0x75: {  	_ =	shalt  }
0x76: {  	_ =	shalt  }
0x77: {  	_ =	shalt  }
0x78: {  	_ =	shalt  }
0x79: {  	_ =	shalt  }
0x7a: {  	_ =	shalt  }
0x7b: {  	_ =	shalt  }
0x7c: {  	_ =	shalt  }
0x7d: {  	_ =	shalt  }
0x7e: {  	_ =	shalt  }
0x7f: {  	_ =	shalt  }
0x80: {  	_ =	shalt  }
0x81: {  	_ =	shalt  }
0x82: {  	_ =	shalt  }
0x83: {  	_ =	shalt  }
0x84: {  	_ =	shalt  }
0x85: {  	_ =	shalt  }
0x86: {  	_ =	shalt  }
0x87: {  	_ =	shalt  }
.Lfunc_end0:
.L_simem_size_0:
called_computation_lowered:
.L_overlay_start_0:
0x88: {  	s2 =	sld [smem:$0x3FD9]  }
0x89: {  	s3 =	sld [smem:$0x3FFE];
	_ =	sdelay $0x1  }
0x8a: {  	s1 =	srdreg.scid  }
0x8b: {  	s0 =	sand.u32 $0x1, s1  }
0x8c: {  	s14 =	sshll.u32 s0, $0xA;
	s2 =	sadd.s32 s3, s2  }
0x8d: {  	s2 =	sadd.s32 s2, s14  }
0x8e: {  	[smem:$0x3FC4] =	sst s2  }
0x8f: {  	_ = 	snop  }
0x90: {  	s2 =	sld [smem:$0x3FD0];
	_ =	sdelay $0x1  }
0x91: {  	s15 =	sld [smem:$0x3FC8]  }
0x92: {  	s5 =	simm.s32 $0xA;
	s6 =	simm.s32 $0x10;
	s4 =	sld [smem:$0x3FC6]  }
0x93: {  	[smem:s6], [sflag:s5] =	dma.local [hbm:s2], $0x1  }
0x94: {  	_ =	swait.eq [sflag:s5], $0x1  }
0x95: {  	[sflag:s5] =	ssyncset.done $0x0  }
0x96: {  	s16 =	sld [smem:$0x11];
	[sflag:s5] =	ssyncadd.s32 $0xFFFFFFFF  }
0x97: {  	s17 =	sld [smem:$0x12];
	(tm) =	ssettm $0x1  }
0x98: {  	s18 =	sld [smem:$0x3FFB];
	_ =	sdelay $0x3  }
0x99: {  	_ =	strace s18  }
0x9a: {  	s6 =	sld [smem:$0x3FFC];
	_ =	sdelay $0x3  }
0x9b: {  	_ =	strace s6  }
0x9c: {  	s6 =	sld [smem:$0x3FFD];
	_ =	sdelay $0x3  }
0x9d: {  	_ =	strace s6  }
0x9e: {  	_ =	strace $0x8FFFFFFF  }
0x9f: {  	s19 =	sld [smem:$0x3FDB];
	_ =	sdelay $0x1  }
0xa0: {  	s7 =	simm.s32 $_scs_section_size  }
0xa1: {  	s8 =	simm.s32 $_size__tile_overlayer_lowered;
	s9 =	simm.s32 $_tile_overlayer_lowered  }
0xa2: {  	s22 =	simm.s32 $0x1BFF;
	s21 =	sshll.u32 s9, $0x1;
	s6 =	sadd.s32 s7, s19  }
0xa3: {  	s10 =	simm.s32 $0x0;
	s20 =	sshll.u32 s8, $0x1;
	s8 =	sadd.s32 s21, s6  }
0xa4: {  	[timem:s10], [sflag:s22] =	dma.local [hbm:s8], s20  }
0xa5: {  	_ =	swait.ge [sflag:s22], s20  }
0xa6: {  	s7 =	ssub.s32 $0x0, s20;
	[sflag:s22] =	ssyncset.done $0x0  }
0xa7: {  	[sflag:s22] =	ssyncadd.s32 s7;
	_ =	sdelay $0x1  }
0xa8: {  	s23 =	simm.s32 $0x1B8B  }
0xa9: {  	_ =	swait.ge [sflag:s23], $0x1  }
0xaa: {  	[sflag:s23] =	ssyncset.done $0x0  }
0xab: {  	s25 =	simm.s32 $0x1B8E;
	s24 =	sld [smem:$0x3FFE];
	[sflag:s23] =	ssyncadd.s32 $0xFFFFFFFF  }
0xac: {  	s26 =	simm.s32 $execute0_lowered;
	[smem:$0x3FD2] =	sst s25  }
0xad: {  	s8 =	sshll.u32 s26, $0x1;
	_ =	strace $0x80000046;
	[dreg:$0x1] =	wrdreg $0xFFFFFFFF  }
0xae: {  	s28 =	simm.s32 $_size_execute0_lowered;
	s6 =	sadd.s32 s6, s8;
	[dreg:$0x0] =	wrdreg $0x0  }
0xaf: {  	s8 =	sshll.u32 s28, $0x1;
	[dreg:$0x2] =	wrdreg s6  }
0xb0: {  	[dreg:$0x3] =	wrdreg s8  }
0xb1: {  	[dreg:$0x4] =	wrdreg $0xC0  }
0xb2: {  	_ =	task [dreg:s10], $0x5FFFF  }
0xb3: {  	[dreg:$0x1] =	wrdreg $0xFFFFFFFF  }
0xb4: {  	[dreg:$0x0] =	wrdreg $0x60  }
0xb5: {  	[dreg:$0x2] =	wrdreg s15  }
0xb6: {  	[dreg:$0x3] =	wrdreg s4  }
0xb7: {  	[dreg:$0x4] =	wrdreg s16  }
0xb8: {  	[dreg:$0x5] =	wrdreg s24  }
0xb9: {  	[dreg:$0x6] =	wrdreg s17  }
0xba: {  	[dreg:$0x7] =	wrdreg $0x9  }
0xbb: {  	_ =	task.clear_ibuf [dreg:s10], $0x8FFFF;
	_ =	strace $0x90000046  }
0xbc: {  	s29 =	simm.s32 $0x9;
	_ =	strace $0x80000048  }
0xbd: {  	_ =	swait.ge [sflag:s29], $0x1  }
0xbe: {  	[sflag:s29] =	ssyncadd.s32 $0xFFFFFFFF  }
0xbf: {  	_ =	strace $0x90000048  }
0xc0: {  	_ =	sfence  }
0xc1: {  	s30 =	sld [smem:$0x0];
	_ =	sdelay $0x2  }
0xc2: {  	s31 =	sshll.u32 s1, $0xD;
	s1 =	sshrl.u32 s1, $0x2  }
0xc3: {  	s3 =	sand.u32 $0x4000, s31;
	s1 =	sadd.s32 s1, s30  }
0xc4: {  	s0 =	sor.u32 s3, s0;
	s1 =	sshll.u32 s1, $0x11  }
0xc5: {  	s0 =	sor.u32 s1, s0  }
0xc6: {  	s0 =	sadd.s32 $0x8F2B, s0  }
0xc7: {  	[sflag:s0] =	ssyncadd.remote.s32 $0x1  }
0xc8: {  	_ =	sfence.sel $0xFFFF  }
0xc9: {  	[dreg:$0x0] =	wrdreg $0xFFFFFFFF;
	(pc) =	sbr.abs _section_cstart, $3  }
0xca: {  	[dreg:$0x1] =	wrdreg $0xFFFFFFFF  }
0xcb: {  	_ =	task.clear_ibuf [dreg:s10], $0x2FFFF;
	_ =	strace $0x9FFFFFFF  }
0xcc: {  	(tm) =	ssettm $0x7FFFFFFF  }
0xcd: {  	_ =	shalt  }
tec
execute0_lowered:
.L_overlay_start_1:
0x0: {  	(tag) =	ssettag $0x1  }
0x1: {  	s4 =	srdreg.scid  }
0x2: {  	s2 =	stileid.u32;
	s4 =	sand.u32 $0x1, s4  }
0x3: {  	s7 =	sshll.u32 s2, $0x1;
	s8 =	ssub.s32 $0x0, s4  }
0x4: {  	p0 =	sne.s32 s7, s8  }
.Ltmp0:
0x5: {  	s1 =	rddreg [dreg:$0x0];
	(pc) =	sbr.rel @p0 .LBB2_12-.Ltmp0, $4  }
0x6: {  	s3 =	rddreg [dreg:$0x2]  }
0x7: {  	s0 =	rddreg [dreg:$0x3];
	s6 =	simm.s32 $0x0  }
0x8: {  	[smem:$0x7FF] =	sst s6  }
0x9: {  	s5 =	rddreg [dreg:$0x4];
	_ =	strace $0x80000047  }
0xa: {  	s4 =	ssub.s32 $0x2, s4;
	s7 =	sadd.s32 $0xC00, s0  }
0xb: {  	s8 =	sadd.s32 $0x600, s1;
	s9 =	sadd.s32 $0x400, s1;
	s10 =	sadd.s32 $0x200, s1  }
.Ltmp1:
0xc: {  	s12 =	simm.s32 $0x1000;
	s13 =	simm.s32 $0x2000;
	(pc) =	sbr.rel .LBB2_2-.Ltmp1, $4  }
0xd: {  	s14 =	simm.s32 $0x3000;
	s15 =	simm.s32 $0xC000;
	s16 =	simm.s32 $0x1  }
0xe: {  	v0 =	vimm.s32 $0x0;
	v1 =	vlaneseq.u32;
	s17 =	simm.s32 $0x4000;
	s18 =	simm.s32 $0x8000;
	s30 =	sshrl.u32 s4, $0x1  }
0xf: {  	v2 =	vimm.s32 $0x1000;
	v3 =	vimm.f32 $0.0e+00;
	vm0 =	vmxor vm0, vm0;
	s19 =	simm.s32 $0xD000;
	s20 =	simm.s32 $0xE100;
	s0 =	ssub.s32 s4, s30  }
0x10: {  	vm1 =	vcmask $0x300;
	vm2 =	vcmask $0x704;
	s21 =	simm.s32 $0x0;
	s31 =	simm.s32 $0xE000;
	v4 =	vor.u32 $0x80000000, v1;
	s11 =	smax.u32 s0, $0x1  }
.LBB2_11:
0x11: {  	v5 =	vnsel vm1, $0x0, v5  }
0x12: {  	v5 =	vsel vm2, s22, v5  }
0x13: {  	[tilespmem:$0xE100] =	vst v5  }
0x14: {  	[hbm4b:s3+s6] =	stream.linear.scatter [tilespmem:s15], [sflag:$0x1], $0x1000, $0x38;
	[tilespmem:$0xE180] =	vst v63  }
0x15: {  	_ = 	snop  }
0x16: {  	[hbm4b:s7+s6] =	stream.linear.scatter [tilespmem:s19], [sflag:$0x1], $0x1000, $0x38;
	[tilespmem:$0xE180] =	vst v63  }
0x17: {  	_ = 	snop  }
0x18: {  	[hbm4b:s5+s6] =	stream.linear.scatter [tilespmem:s20], [sflag:$0x1], $0x80, $0x38;
	[tilespmem:$0xE180] =	vst v63  }
0x19: {  	_ =	swait.ge [sflag:s16], $0x1000  }
0x1a: {  	[sflag:s16] =	ssyncset.done $0x0  }
0x1b: {  	s21 =	sadd.s32 $0x1, s21;
	[sflag:s16] =	ssyncadd.s32 $0xFFFFF000  }
0x1c: {  	p0 =	sne.s32 s21, s11;
	_ =	swait.ge [sflag:s16], $0x1000  }
.Ltmp2:
0x1d: {  	[sflag:s16] =	ssyncset.done $0x0;
	(pc) =	sbr.rel @!p0 .LBB2_12-.Ltmp2, $4  }
0x1e: {  	[sflag:s16] =	ssyncadd.s32 $0xFFFFF000  }
0x1f: {  	_ =	swait.ge [sflag:s16], $0x80  }
0x20: {  	[sflag:s16] =	ssyncset.done $0x0  }
0x21: {  	[sflag:s16] =	ssyncadd.s32 $0xFFFFFF80  }
.LBB2_2:
0x22: {  	s0 =	simm.s32 $0x0  }
0x23: {  	[tilespmem:s0], [sflag:$0x1] =	stream.linear.gather [hbm4b:s1+s0], $0x1000, $0x38;
	[tilespmem:$0xE180] =	vst v63  }
0x24: {  	_ = 	snop  }
0x25: {  	[tilespmem:s12], [sflag:$0x1] =	stream.linear.gather [hbm4b:s10+s0], $0x1000, $0x38;
	[tilespmem:$0xE180] =	vst v63  }
0x26: {  	_ = 	snop  }
0x27: {  	[tilespmem:s13], [sflag:$0x1] =	stream.linear.gather [hbm4b:s9+s0], $0x1000, $0x38;
	[tilespmem:$0xE180] =	vst v63  }
0x28: {  	_ = 	snop  }
0x29: {  	[tilespmem:s14], [sflag:$0x1] =	stream.linear.gather [hbm4b:s8+s0], $0x1000, $0x38;
	[tilespmem:$0xE180] =	vst v63  }
0x2a: {  	s2 =	rddreg [dreg:$0x1]  }
0x2b: {  	[tilespmem:s15], [sflag:$0x1] =	stream.linear.gather [hbm4b:s2+s0], $0x1000, $0x38;
	[tilespmem:$0xE180] =	vst v63  }
0x2c: {  	_ =	swait.ge [sflag:s16], $0x1000  }
0x2d: {  	[sflag:s16] =	ssyncset.done $0x0  }
0x2e: {  	[sflag:s16] =	ssyncadd.s32 $0xFFFFF000  }
0x2f: {  	_ =	swait.ge [sflag:s16], $0x1000  }
0x30: {  	[sflag:s16] =	ssyncset.done $0x0  }
0x31: {  	[sflag:s16] =	ssyncadd.s32 $0xFFFFF000  }
0x32: {  	_ =	swait.ge [sflag:s16], $0x1000  }
0x33: {  	[sflag:s16] =	ssyncset.done $0x0  }
0x34: {  	[sflag:s16] =	ssyncadd.s32 $0xFFFFF000  }
0x35: {  	_ =	swait.ge [sflag:s16], $0x1000  }
0x36: {  	[sflag:s16] =	ssyncset.done $0x0  }
0x37: {  	[sflag:s16] =	ssyncadd.s32 $0xFFFFF000  }
0x38: {  	_ =	swait.ge [sflag:s16], $0x1000  }
0x39: {  	[sflag:s16] =	ssyncset.done $0x0  }
0x3a: {  	[sflag:s16] =	ssyncadd.s32 $0xFFFFF000  }
0x3b: {  	v5 =	vld [tilespmem:s0+$0x0];
	_ =	sdelay $0x4  }
0x3c: {  	vm3 =	vgt.f32 v5, $5.000000000e-01  }
0x3d: {  	v6 =	vsel vm3, $0x1, v0  }
0x3e: {  	(xrf0) =	vadd.scan.msk.s32 $0xffff, v6;
	_ =	sdelay $0x5  }
0x3f: {  	v6, _, _ =	vpop (xrf0)  }
0x40: {  	v7 =	vxor.u32 $0x80000000, v6  }
0x41: {  	v6 =	vadd.s32 v6, v0;
	(xrf0) =	vmax.scan.msk.u32 $0xffff, v7  }
0x42: {  	v6 =	vadd.s32 $0xFFFFFFFF, v6;
	_ =	sdelay $0x4  }
0x43: {  	[tilespmem:v6+s17+$0x0] =	vst.idx.msk vm3, v5;
	v5, _, _ =	vpop (xrf0)  }
0x44: {  	v7 =	vor.u32 s0, v1;
	(v2sf) =	vpush v5, $0xF  }
0x45: {  	s22 =	simm.s32 $0x10;
	[tilespmem:v6+s18+$0x0] =	vst.idx.msk vm3, v7  }
0x46: {  	s23 =	simm.s32 $0x20;
	s24 =	simm.s32 $0x10;
	v6 =	vimm.s32 $0x0;
	v5 =	vld [tilespmem:s22+$0x0]  }
.LBB2_3:
0x47: {  	p0 =	sne.s32 s23, $0x3FF0;
	_ =	sdelay $0x3  }
0x48: {  	vm3 =	vgt.f32 v5, $5.000000000e-01  }
0x49: {  	v7 =	vsel vm3, $0x1, v0  }
0x4a: {  	(xrf0) =	vadd.scan.msk.s32 $0xffff, v7;
	_ =	sdelay $0x5  }
0x4b: {  	v7, _, _ =	vpop (xrf0);
	s0 =	spop (v2sf)  }
0x4c: {  	v8 =	vxor.u32 $0x80000000, v7;
	s0 =	sxor.u32 $0x80000000, s0  }
0x4d: {  	(xrf0) =	vmax.scan.msk.u32 $0xffff, v8;
	v6 =	vadd.s32 s0, v6  }
0x4e: {  	v7 =	vadd.s32 v7, v6  }
0x4f: {  	v7 =	vadd.s32 $0xFFFFFFFF, v7;
	_ =	sdelay $0x2  }
.Ltmp3:
0x50: {  	(pc) =	sbr.rel @p0 .LBB2_3-.Ltmp3, $4  }
0x51: {  	v8, _, _ =	vpop (xrf0)  }
0x52: {  	v9 =	vor.u32 s22, v1;
	s22 =	smov.u32 s23;
	[tilespmem:v7+s17+$0x0] =	vst.idx.msk vm3, v5;
	(v2sf) =	vpush v8, $0xF  }
0x53: {  	s24 =	sadd.s32 $0x10, s24;
	[tilespmem:v7+s18+$0x0] =	vst.idx.msk vm3, v9  }
0x54: {  	s23 =	sadd.s32 $0x10, s23;
	v5 =	vld [tilespmem:s24+$0x0]  }
0x55: {  	_ =	sdelay $0x3  }
0x56: {  	vm3 =	vgt.f32 v5, $5.000000000e-01  }
0x57: {  	v7 =	vsel vm3, $0x1, v0  }
0x58: {  	(xrf0) =	vadd.scan.msk.s32 $0xffff, v7;
	_ =	sdelay $0x5  }
0x59: {  	v7, _, _ =	vpop (xrf0)  }
0x5a: {  	v8 =	vxor.u32 $0x80000000, v7  }
0x5b: {  	(xrf0) =	vmax.scan.msk.u32 $0xffff, v8;
	_ =	sdelay $0x5  }
0x5c: {  	v8, _, _ =	vpop (xrf0)  }
0x5d: {  	(v2sf) =	vpush v8, $0xF;
	_ =	sdelay $0xd  }
0x5e: {  	s0 =	spop (v2sf)  }
0x5f: {  	s0 =	sxor.u32 $0x80000000, s0;
	s4 =	spop (v2sf)  }
0x60: {  	v6 =	vadd.s32 s0, v6;
	s2 =	sxor.u32 $0x80000000, s4  }
0x61: {  	v8 =	vadd.s32 s2, v6  }
0x62: {  	v8 =	vxor.u32 $0x80000000, v8  }
0x63: {  	(xrf0) =	vmax.scan.msk.u32 $0xffff, v8;
	_ =	sdelay $0x5  }
0x64: {  	v8, _, _ =	vpop (xrf0)  }
0x65: {  	(v2sf) =	vpush v8, $0xF;
	_ =	sdelay $0x6  }
0x66: {  	v6 =	vadd.s32 v7, v6  }
0x67: {  	v6 =	vadd.s32 $0xFFFFFFFF, v6;
	_ =	sdelay $0x4  }
0x68: {  	v7 =	vor.u32 s22, v1;
	[tilespmem:v6+s17+$0x0] =	vst.idx.msk vm3, v5  }
0x69: {  	s26 =	simm.s32 $0xC000;
	[tilespmem:v6+s18+$0x0] =	vst.idx.msk vm3, v7  }
0x6a: {  	s28 =	simm.s32 $0x4000;
	v6 =	vld [tilespmem:s26+$0x0];
	s23 =	spop (v2sf)  }
0x6b: {  	v7 =	vld [tilespmem:s28+$0x0];
	s22 =	sxor.u32 $0x80000000, s23  }
0x6c: {  	p0 =	slt.s32 s22, $0x1000;
	s24 =	smov.u32 s22  }
0x6d: {  	s25 =	simm.s32 $0x0;
	s24 =	simm.s32 @!p0 $0x1000  }
0x6e: {  	v8 =	vor.u32 s25, v1;
	v5 =	vmov s24  }
0x6f: {  	s29 =	simm.s32 $0x8000;
	vm3 =	vlt.s32 v8, v5  }
0x70: {  	v6 =	vsel vm3, v7, v6;
	v7 =	vld [tilespmem:s29+$0x0];
	_ =	sdelay $0x1  }
0x71: {  	(xrf0) =	vmin.scan.msk.f32 $0xffff, v6;
	_ =	sdelay $0x2  }
0x72: {  	s4 =	simm.s32 $0xD000;
	[tilespmem:s26+$0x0] =	vst v6;
	v6 =	vnsel vm3, $0xFFFFFFFF, v7  }
0x73: {  	[tilespmem:s4+$0x0] =	vst v6;
	v6 =	vmov s25;
	_ =	sdelay $0x1  }
0x74: {  	v7, _, _ =	vpop (xrf0)  }
0x75: {  	v7 =	vbroadcast v7, $0xF  }
0x76: {  	s30 =	simm.s32 $0x1;
	s0 =	simm.s32 $0xD010;
	s4 =	simm.s32 $0x10  }
.LBB2_5:
0x77: {  	[tilespmem:v6+s31+$0x0] =	vst.idx.msk $0x1, v7;
	s28 =	sadd.s32 $0x10, s28;
	s29 =	sadd.s32 $0x10, s29;
	s26 =	sadd.s32 $0x10, s26  }
0x78: {  	p0 =	sne.s32 s30, $0xFF;
	s2 =	smov.u32 s30;
	s30 =	sadd.s32 $0x1, s30;
	v6 =	vld [tilespmem:s26+$0x0]  }
0x79: {  	v7 =	vld [tilespmem:s28+$0x0]  }
0x7a: {  	v8 =	vld [tilespmem:s29+$0x0];
	_ =	sdelay $0x1  }
0x7b: {  	v9 =	vor.u32 s4, v1  }
0x7c: {  	vm3 =	vlt.s32 v9, v5  }
0x7d: {  	v6 =	vsel vm3, v7, v6  }
0x7e: {  	[tilespmem:s26+$0x0] =	vst v6;
	v7 =	vnsel vm3, $0xFFFFFFFF, v8;
	(xrf0) =	vmin.scan.msk.f32 $0xffff, v6  }
0x7f: {  	[tilespmem:s0+$0x0] =	vst v7;
	_ =	sdelay $0x2  }
.Ltmp4:
0x80: {  	v6 =	vmov s2;
	(pc) =	sbr.rel @p0 .LBB2_5-.Ltmp4, $4  }
0x81: {  	_ = 	snop  }
0x82: {  	v7, _, _ =	vpop (xrf0)  }
0x83: {  	v7 =	vbroadcast v7, $0xF  }
0x84: {  	s4 =	sadd.s32 $0x10, s4;
	s0 =	sadd.s32 $0x10, s0  }
0x85: {  	_ =	sdelay $0x3  }
0x86: {  	[tilespmem:v6+s31+$0x0] =	vst.idx.msk $0x1, v7  }
0x87: {  	v6 =	vld [tilespmem:s31+$0x0];
	_ =	sdelay $0x4  }
0x88: {  	s0 =	simm.s32 $0xE010;
	(xrf0) =	vmin.scan.msk.f32 $0xffff, v6  }
0x89: {  	v7 =	vld [tilespmem:s0+$0x0];
	_ =	sdelay $0x4  }
0x8a: {  	s4 =	simm.s32 $0x2;
	s26 =	simm.s32 $0xE020;
	s0 =	simm.s32 $0x1;
	v6 =	vimm.f32 $0.0e+00;
	(xrf0) =	vmin.scan.msk.f32 $0xffff, v7;
	v7, _, _ =	vpop (xrf0)  }
.LBB2_7:
0x8b: {  	p0 =	sne.s32 s4, $0xF  }
0x8c: {  	v8 =	vld [tilespmem:s26+$0x0];
	v9 =	vmov s25;
	v7 =	vbroadcast v7, $0xF;
	s25 =	smov.u32 s0;
	s0 =	smov.u32 s4;
	s4 =	sadd.s32 $0x1, s4  }
.Ltmp5:
0x8d: {  	vm3 =	veq.s32 v9, v1;
	(pc) =	sbr.rel @p0 .LBB2_7-.Ltmp5, $2  }
0x8e: {  	v6 =	vsel vm3, v7, v6;
	_ =	sdelay $0x2  }
0x8f: {  	s26 =	sadd.s32 $0x10, s26;
	(xrf0) =	vmin.scan.msk.f32 $0xffff, v8;
	v7, _, _ =	vpop (xrf0)  }
0x90: {  	_ =	sdelay $0x1  }
0x91: {  	s30 =	ssub.s32 s22, s24  }
0x92: {  	p0 =	slt.s32 s30, $0x1  }
.Ltmp6:
0x93: {  	_ = 	snop;
	(pc) =	sbr.rel @p0 .LBB2_11-.Ltmp6, $4  }
0x94: {  	v8 =	vmov s25;
	v7 =	vbroadcast v7, $0xF;
	v9, _, _ =	vpop (xrf0)  }
0x95: {  	vm3 =	veq.s32 v8, v1;
	v8 =	vmov s0;
	v9 =	vbroadcast v9, $0xF  }
0x96: {  	v6 =	vsel vm3, v7, v6;
	vm3 =	veq.s32 v8, v1  }
0x97: {  	v6 =	vsel vm3, v9, v6  }
0x98: {  	_ = 	snop  }
0x99: {  	(xrf0) =	vmin.scan.msk.f32 $0xffff, v6;
	_ =	sdelay $0x2  }
0x9a: {  	v7 =	vld.idx.msk [tilespmem:v2+s17+$0x0], $0xffff;
	_ =	sdelay $0x2  }
0x9b: {  	v8, _, _ =	vpop (xrf0)  }
0x9c: {  	v8 =	vbroadcast v8, $0xF  }
0x9d: {  	vm3 =	vgt.f32 v7, v6  }
0x9e: {  	v9 =	vsel vm3, $0x3F800000, v3;
	vm3 =	veq.f32 v6, v8  }
0x9f: {  	(xrf0) =	vmax.scan.msk.f32 $0xffff, v9;
	v9 =	vnsel vm3, $0x80000010, v4  }
0xa0: {  	(xrf0) =	vmin.scan.msk.u32 $0xffff, v9;
	_ =	sdelay $0x4  }
0xa1: {  	v9, _, _ =	vpop (xrf0)  }
0xa2: {  	(v2sf) =	vpush v9, $0xF;
	v9, _, _ =	vpop (xrf0)  }
0xa3: {  	(v2sf) =	vpush v9, $0xF;
	_ =	sdelay $0xd  }
0xa4: {  	s0 =	spop (v2sf)  }
0xa5: {  	s2 =	spop (v2sf)  }
0xa6: {  	s4 =	sshll.u32 s2, $0x4  }
0xa7: {  	v9 =	vld [tilespmem:s4+$0xE000];
	_ =	sdelay $0x4  }
0xa8: {  	vm3 =	veq.f32 v9, v8  }
0xa9: {  	v10 =	vnsel vm3, $0x80000010, v4  }
0xaa: {  	(xrf0) =	vmin.scan.msk.u32 $0xffff, v10;
	_ =	sdelay $0x5  }
0xab: {  	v10, _, _ =	vpop (xrf0)  }
0xac: {  	(v2sf) =	vpush v10, $0xF;
	_ =	sdelay $0xe  }
0xad: {  	s25 =	spop (v2sf)  }
0xae: {  	s26 =	sadd.s32 s4, s25  }
0xaf: {  	s26 =	sshll.u32 s26, $0x4  }
0xb0: {  	v10 =	vld [tilespmem:s26+$0xC000];
	_ =	sdelay $0x4  }
0xb1: {  	vm3 =	veq.f32 v10, v8  }
0xb2: {  	v8 =	vnsel vm3, $0x80000010, v4  }
0xb3: {  	(xrf0) =	vmin.scan.msk.u32 $0xffff, v8;
	_ =	sdelay $0x5  }
0xb4: {  	v8, _, _ =	vpop (xrf0)  }
0xb5: {  	(v2sf) =	vpush v8, $0xF;
	_ =	sdelay $0xe  }
0xb6: {  	s28 =	spop (v2sf)  }
0xb7: {  	p0 =	sgt.f32 s0, $0.0e+00;
	s28 =	sxor.u32 $0x80000000, s28  }
0xb8: {  	vm3 =	vmmov vm0;
	v8 =	vmov s28  }
0xb9: {  	vm3 =	vmneg @p0 vm3;
	vm4 =	veq.s32 v8, v1  }
0xba: {  	vm4 =	vmand vm3, vm4  }
0xbb: {  	v10 =	vsel vm4, v7, v10  }
0xbc: {  	(xrf0) =	vmin.scan.msk.f32 $0xffff, v10;
	_ =	sdelay $0x4  }
0xbd: {  	s29 =	sxor.u32 $0x80000000, s25  }
0xbe: {  	v7 =	vmov s29;
	v8, _, _ =	vpop (xrf0)  }
0xbf: {  	s0 =	simm.s32 $0x1001;
	p0 =	por $0x1, $0x1;
	vm5 =	veq.s32 v7, v1;
	v7 =	vbroadcast v8, $0xF  }
0xc0: {  	s0 =	simm.s32 @!p0 $0x3FFF;
	vm5 =	vmand vm3, vm5  }
0xc1: {  	v11 =	vld.idx.msk [tilespmem:v2+s18+$0x0], $0xffff;
	v8 =	vmov s0;
	v9 =	vsel vm5, v7, v9  }
0xc2: {  	v12 =	vld [tilespmem:s26+$0xD000];
	(xrf0) =	vmin.scan.msk.f32 $0xffff, v9;
	_ =	sdelay $0x1  }
0xc3: {  	s23 =	ssub.s32 s23, s24  }
0xc4: {  	p0 =	sne.s32 s23, $0x80000001  }
.Ltmp7:
0xc5: {  	v7 =	vld.idx.msk [tilespmem:v8+s17+$0x0], $0xffff;
	(pc) =	sbr.rel @!p0 .LBB2_11-.Ltmp7, $4  }
0xc6: {  	s30 =	sxor.u32 $0x80000000, s2;
	v11 =	vsel vm4, v11, v12;
	v8 =	vld.idx.msk [tilespmem:v8+s18+$0x0], $0xffff;
	[tilespmem:s26+$0xC000] =	vst v10  }
0xc7: {  	v13 =	vmov s30;
	[tilespmem:s26+$0xD000] =	vst v11;
	v10, _, _ =	vpop (xrf0)  }
0xc8: {  	vm4 =	veq.s32 v13, v1;
	[tilespmem:s4+$0xE000] =	vst v9;
	v9 =	vbroadcast v10, $0xF  }
0xc9: {  	s24 =	simm.s32 $0x80000001;
	vm3 =	vmand vm3, vm4  }
.LBB2_10:
0xca: {  	v6 =	vsel vm3, v9, v6;
	s25 =	smov.u32 s24;
	s24 =	sadd.s32 $0x1, s24  }
0xcb: {  	vm3 =	vgt.f32 v7, v6;
	p0 =	sne.s32 s23, s24;
	(xrf0) =	vmin.scan.msk.f32 $0xffff, v6  }
0xcc: {  	v9 =	vsel vm3, $0x3F800000, v3  }
0xcd: {  	(xrf0) =	vmax.scan.msk.f32 $0xffff, v9;
	_ =	sdelay $0x3  }
0xce: {  	v9, _, _ =	vpop (xrf0)  }
0xcf: {  	v9 =	vbroadcast v9, $0xF  }
0xd0: {  	v10, _, _ =	vpop (xrf0)  }
0xd1: {  	vm3 =	veq.f32 v6, v9;
	(v2sf) =	vpush v10, $0xF  }
0xd2: {  	v10 =	vnsel vm3, $0x80000010, v4  }
0xd3: {  	(xrf0) =	vmin.scan.msk.u32 $0xffff, v10;
	_ =	sdelay $0x5  }
0xd4: {  	v10, _, _ =	vpop (xrf0)  }
0xd5: {  	(v2sf) =	vpush v10, $0xF;
	_ =	sdelay $0x5  }
0xd6: {  	s0 =	spop (v2sf)  }
0xd7: {  	p1 =	sgt.f32 s0, $0.0e+00;
	_ =	sdelay $0x7  }
0xd8: {  	s0 =	spop (v2sf)  }
0xd9: {  	s2 =	sxor.u32 $0x80000000, s0;
	s26 =	sshll.u32 s0, $0x4  }
0xda: {  	v10 =	vld [tilespmem:s26+$0xE000];
	v11 =	vmov s2  }
0xdb: {  	vm3 =	veq.s32 v11, v1;
	_ =	sdelay $0x3  }
0xdc: {  	vm4 =	veq.f32 v10, v9  }
0xdd: {  	v11 =	vnsel vm4, $0x80000010, v4  }
0xde: {  	(xrf0) =	vmin.scan.msk.u32 $0xffff, v11;
	_ =	sdelay $0x5  }
0xdf: {  	v11, _, _ =	vpop (xrf0)  }
0xe0: {  	(v2sf) =	vpush v11, $0xF;
	_ =	sdelay $0xe  }
0xe1: {  	s0 =	spop (v2sf)  }
0xe2: {  	s2 =	sxor.u32 $0x80000000, s0;
	s0 =	sadd.s32 s26, s0  }
0xe3: {  	s28 =	sshll.u32 s0, $0x4;
	v11 =	vmov s2  }
0xe4: {  	v12 =	vld [tilespmem:s28+$0xC000];
	vm4 =	veq.s32 v11, v1;
	_ =	sdelay $0x4  }
0xe5: {  	vm5 =	veq.f32 v12, v9  }
0xe6: {  	v9 =	vnsel vm5, $0x80000010, v4  }
0xe7: {  	(xrf0) =	vmin.scan.msk.u32 $0xffff, v9;
	_ =	sdelay $0x5  }
0xe8: {  	v9, _, _ =	vpop (xrf0)  }
0xe9: {  	(v2sf) =	vpush v9, $0xF;
	_ =	sdelay $0xb  }
0xea: {  	s0 =	sadd.s32 $0x80001001, s25  }
0xeb: {  	p2 =	slt.s32 s0, $0x3FFF  }
0xec: {  	s0 =	simm.s32 @!p2 $0x3FFF  }
0xed: {  	v9 =	vmov s0;
	v11 =	vld [tilespmem:s28+$0xD000];
	s0 =	spop (v2sf)  }
0xee: {  	s0 =	sxor.u32 $0x80000000, s0  }
0xef: {  	vm6 =	vmmov vm0;
	v13 =	vmov s0  }
0xf0: {  	vm6 =	vmneg @p1 vm6;
	vm5 =	veq.s32 v13, v1  }
0xf1: {  	vm3 =	vmand vm6, vm3;
	vm5 =	vmand vm6, vm5  }
0xf2: {  	v12 =	vsel vm5, v7, v12;
	v7 =	vld.idx.msk [tilespmem:v9+s17+$0x0], $0xffff;
	v11 =	vsel vm5, v8, v11  }
0xf3: {  	v8 =	vld.idx.msk [tilespmem:v9+s18+$0x0], $0xffff;
	(xrf0) =	vmin.scan.msk.f32 $0xffff, v12  }
0xf4: {  	[tilespmem:s28+$0xC000] =	vst v12  }
0xf5: {  	[tilespmem:s28+$0xD000] =	vst v11;
	_ =	sdelay $0x3  }
0xf6: {  	v9, _, _ =	vpop (xrf0)  }
0xf7: {  	v9 =	vbroadcast v9, $0xF  }
0xf8: {  	vm4 =	vmand vm6, vm4  }
0xf9: {  	v9 =	vsel vm4, v9, v10  }
0xfa: {  	[tilespmem:s26+$0xE000] =	vst v9;
	(xrf0) =	vmin.scan.msk.f32 $0xffff, v9;
	_ =	sdelay $0x2  }
.Ltmp8:
0xfb: {  	(pc) =	sbr.rel @p0 .LBB2_10-.Ltmp8, $3  }
0xfc: {  	_ =	sdelay $0x1  }
0xfd: {  	v9, _, _ =	vpop (xrf0)  }
0xfe: {  	v9 =	vbroadcast v9, $0xF  }
.Ltmp9:
0xff: {  	_ = 	snop;
	(pc) =	sbr.rel .LBB2_11-.Ltmp9, $1  }
0x100: {  	_ =	sdelay $0x3  }
.LBB2_12:
0x101: {  	_ =	sfence.sel $0x180000  }
0x102: {  	[bflag:$0x0] =	sbarrier.arrive $0xFFFF  }
0x103: {  	_ =	strace $0x90000047  }
0x104: {  	s0 =	stileid.u32;
	[bflag:$0x2] =	sbarrier.arrive $0xFFFF  }
0x105: {  	p0 =	sne.s32 s0, $0x0;
	s0 =	rddreg [dreg:$0x5]  }
0x106: {  	s0 =	sadd.s32 @!p0 $0x100000, s0  }
0x107: {  	[sflag:s0] =	ssyncadd.tile.s32 @!p0 $0x1;
	_ =	shalt  }
.Lfunc_end2:
_tile_overlayer_lowered:
.L_overlay_start_2:
0x108: {  	(tag) =	ssettag $0x2  }
0x109: {  	s0 =	rddreg [dreg:$0x0];
	s2 =	stileid.u32  }
0x10a: {  	s1 =	rddreg [dreg:$0x1];
	p0 =	sne.s32 s2, $0x0  }
0x10b: {  	s3 =	rddreg [dreg:$0x2];
	[bflag:$0x3] =	sbarrier.arrive $0xFFFF;
	s2 =	simm.s32 @!p0 $0x1C02  }
0x10c: {  	[timem:s3], [sflag:s2] =	dma.local @!p0 [hbm:s0], s1  }
0x10d: {  	s0 =	simm.s32 @!p0 $0x2  }
0x10e: {  	_ =	swait.ge @!p0 [sflag:s0], s1  }
0x10f: {  	s1 =	ssub.s32 @!p0 $0x0, s1;
	[sflag:s0] =	ssyncset.done @!p0 $0x0  }
0x110: {  	[sflag:s0] =	ssyncadd.s32 @!p0 s1  }
0x111: {  	[bflag:$0x3] =	sbarrier.arrive $0xFFFF  }
0x112: {  	_ =	shalt  }

// kernel: kernel.7.cloned.1.call-start
scs
__scs_entry_jumppad:
0x0: {  	(pc) =	sbr.rel $0x88, $3  }
0x1: {  	(tag) =	ssettag $0x0;
	lr =	simm.s32 $0x1  }
0x2: {  	[smem:$0x3F9D] =	sst lr;
	_ =	strace $0xD0000000  }
0x3: {  	_ = 	snop  }
0x4: {  	_ = 	snop  }
0x5: {  	_ = 	snop  }
0x6: {  	_ = 	snop  }
0x7: {  	_ = 	snop  }
__scs_overlays_trampoline_lowered:
0x8: {  	[smem:$0x3FAC] =	sst s0  }
0x9: {  	[smem:$0x3FAD] =	sst s1  }
0xa: {  	[smem:$0x3FAE] =	sst s2  }
0xb: {  	[smem:$0x3FAF] =	sst s3  }
0xc: {  	[smem:$0x3FB0] =	sst s4  }
0xd: {  	[smem:$0x3FB1] =	sst s5  }
0xe: {  	[smem:$0x3FB2] =	sst s6  }
0xf: {  	[smem:$0x3FB3] =	sst s7  }
0x10: {  	[smem:$0x3FB4] =	sst s8  }
0x11: {  	[smem:$0x3FB5] =	sst s9;
	s0 =	simm.s32 @!p0 $0x0  }
0x12: {  	s1 =	sld [smem:$0x3F9B];
	s0 =	simm.s32 @p0 $0x1  }
0x13: {  	[smem:$0x3FB6] =	sst s0;
	s0 =	simm.s32 @!p1 $0x0  }
0x14: {  	s2 =	sld [smem:$0x3F9A];
	s0 =	simm.s32 @p1 $0x1  }
0x15: {  	[smem:$0x3FB7] =	sst s0;
	s0 =	simm.s32 @!p2 $0x0  }
0x16: {  	s3 =	sld [smem:$0x3FDB];
	s0 =	simm.s32 @p2 $0x1  }
0x17: {  	s4 =	simm.s32 $0x1BF5;
	[smem:$0x3FB9] =	sst s0  }
0x18: {  	s0 =	sld [smem:$0x3F9C];
	_ =	swait.ge [sflag:s4], $0x0  }
0x19: {  	s7 =	sld [smem:$0x3F9D]  }
0x1a: {  	s8 =	sadd.s32 $0xFFFFE003, lr  }
0x1b: {  	s9 =	sadd.s32 $0xFFFFFEF7, lr;
	s5 =	simm.s32 $0xFFFFFFFF;
	p2 =	slt.u32 s8, $0xFFFFF086  }
0x1c: {  	p1 =	slt.u32 s9, $0xF7A;
	s5 =	simm.s32 @!p2 $0x0  }
0x1d: {  	s5 =	simm.s32 @p1 $0x1;
	p0 =	seq.s32 s7, s2  }
0x1e: {  	s7 =	smul.u32 @!p0 $0xF7A, s2;
	p2 =	seq.s32 @!p0 s5, $0x0  }
0x1f: {  	s9 =	smul.u32 $0xF7A, s1;
	s8 =	simm.s32 @!p0 $0x1BF5;
	p2 =	por !p2, p0  }
0x20: {  	[sflag:s8] =	ssyncset.s32 @!p0 $0xFFFFF086;
	s6 =	sadd.s32 @!p0 s3, s7;
	s7 =	simm.s32 @!p0 $0x108  }
0x21: {  	s3 =	sadd.s32 s3, s9;
	s6 =	sadd.s32 @!p0 $0x88, s6;
	s7 =	simm.s32 @p2 $0x1082  }
0x22: {  	[simem:s7], [sflag:s8] =	dma.local @!p0 [hbm:s6], $0xF7A  }
0x23: {  	s9 =	sor.u32 $0xD0000000, s2;
	s6 =	simm.s32 $0x108;
	_ =	swait.ge @!p0 [sflag:s8], $0x0  }
0x24: {  	s3 =	sadd.s32 $0x88, s3;
	s6 =	simm.s32 @!p1 $0x1082;
	[sflag:s4] =	ssyncset.s32 $0xFFFFF086  }
0x25: {  	[simem:s6], [sflag:s4] =	dma.local [hbm:s3], $0xF7A  }
0x26: {  	[smem:$0x3F9D] =	sst s1;
	(tag) =	ssettag s2;
	_ =	strace s9  }
0x27: {  	s1 =	sld [smem:$0x3FAD]  }
0x28: {  	s2 =	sld [smem:$0x3FAE]  }
0x29: {  	s4 =	sld [smem:$0x3FB0]  }
0x2a: {  	p0 =	seq.s32 s5, $0x0;
	s5 =	sld [smem:$0x3FB1]  }
0x2b: {  	s6 =	sld [smem:$0x3FB2]  }
0x2c: {  	s7 =	sld [smem:$0x3FB3]  }
0x2d: {  	s3 =	simm.s32 $0x108;
	s8 =	sld [smem:$0x3FB4]  }
0x2e: {  	s3 =	simm.s32 @!p0 $0x1082;
	s9 =	sld [smem:$0x3FB5]  }
0x2f: {  	lr =	sadd.s32 s0, s3;
	s0 =	sld [smem:$0x3FAC]  }
0x30: {  	s3 =	sld [smem:$0x3FAF]  }
0x31: {  	[smem:$0x3FB8] =	sst s10  }
0x32: {  	s10 =	sld [smem:$0x3FB6];
	_ =	sdelay $0x3  }
0x33: {  	p0 =	seq.s32 s10, $0x1;
	s10 =	sld [smem:$0x3FB8];
	_ =	sdelay $0x3  }
0x34: {  	[smem:$0x3FB8] =	sst s10  }
0x35: {  	s10 =	sld [smem:$0x3FB7];
	_ =	sdelay $0x3  }
0x36: {  	p1 =	seq.s32 s10, $0x1;
	s10 =	sld [smem:$0x3FB8];
	_ =	sdelay $0x3  }
0x37: {  	[smem:$0x3FB8] =	sst s10  }
0x38: {  	s10 =	sld [smem:$0x3FB9]  }
0x39: {  	_ = 	snop;
	(pc) =	sbr.ind lr, $3  }
0x3a: {  	_ = 	snop  }
0x3b: {  	_ = 	snop  }
0x3c: {  	p2 =	seq.s32 s10, $0x1;
	s10 =	sld [smem:$0x3FB8]  }
0x3d: {  	_ =	shalt  }
0x3e: {  	_ =	shalt  }
0x3f: {  	_ =	shalt  }
0x40: {  	_ =	shalt  }
0x41: {  	_ =	shalt  }
0x42: {  	_ =	shalt  }
0x43: {  	_ =	shalt  }
0x44: {  	_ =	shalt  }
0x45: {  	_ =	shalt  }
0x46: {  	_ =	shalt  }
0x47: {  	_ =	shalt  }
0x48: {  	_ =	shalt  }
0x49: {  	_ =	shalt  }
0x4a: {  	_ =	shalt  }
0x4b: {  	_ =	shalt  }
0x4c: {  	_ =	shalt  }
0x4d: {  	_ =	shalt  }
0x4e: {  	_ =	shalt  }
0x4f: {  	_ =	shalt  }
0x50: {  	_ =	shalt  }
0x51: {  	_ =	shalt  }
0x52: {  	_ =	shalt  }
0x53: {  	_ =	shalt  }
0x54: {  	_ =	shalt  }
0x55: {  	_ =	shalt  }
0x56: {  	_ =	shalt  }
0x57: {  	_ =	shalt  }
0x58: {  	_ =	shalt  }
0x59: {  	_ =	shalt  }
0x5a: {  	_ =	shalt  }
0x5b: {  	_ =	shalt  }
0x5c: {  	_ =	shalt  }
0x5d: {  	_ =	shalt  }
0x5e: {  	_ =	shalt  }
0x5f: {  	_ =	shalt  }
0x60: {  	_ =	shalt  }
0x61: {  	_ =	shalt  }
0x62: {  	_ =	shalt  }
0x63: {  	_ =	shalt  }
0x64: {  	_ =	shalt  }
0x65: {  	_ =	shalt  }
0x66: {  	_ =	shalt  }
0x67: {  	_ =	shalt  }
0x68: {  	_ =	shalt  }
0x69: {  	_ =	shalt  }
0x6a: {  	_ =	shalt  }
0x6b: {  	_ =	shalt  }
0x6c: {  	_ =	shalt  }
0x6d: {  	_ =	shalt  }
0x6e: {  	_ =	shalt  }
0x6f: {  	_ =	shalt  }
0x70: {  	_ =	shalt  }
0x71: {  	_ =	shalt  }
0x72: {  	_ =	shalt  }
0x73: {  	_ =	shalt  }
0x74: {  	_ =	shalt  }
0x75: {  	_ =	shalt  }
0x76: {  	_ =	shalt  }
0x77: {  	_ =	shalt  }
0x78: {  	_ =	shalt  }
0x79: {  	_ =	shalt  }
0x7a: {  	_ =	shalt  }
0x7b: {  	_ =	shalt  }
0x7c: {  	_ =	shalt  }
0x7d: {  	_ =	shalt  }
0x7e: {  	_ =	shalt  }
0x7f: {  	_ =	shalt  }
0x80: {  	_ =	shalt  }
0x81: {  	_ =	shalt  }
0x82: {  	_ =	shalt  }
0x83: {  	_ =	shalt  }
0x84: {  	_ =	shalt  }
0x85: {  	_ =	shalt  }
0x86: {  	_ =	shalt  }
0x87: {  	_ =	shalt  }
.Lfunc_end0:
.L_simem_size_0:
called_computation.1_lowered:
.L_overlay_start_0:
0x88: {  	s2 =	sld [smem:$0x3FD9]  }
0x89: {  	s3 =	sld [smem:$0x3FFE];
	_ =	sdelay $0x1  }
0x8a: {  	s1 =	srdreg.scid  }
0x8b: {  	s0 =	sand.u32 $0x1, s1  }
0x8c: {  	s14 =	sshll.u32 s0, $0xA;
	s2 =	sadd.s32 s3, s2  }
0x8d: {  	s2 =	sadd.s32 s2, s14  }
0x8e: {  	[smem:$0x3FC4] =	sst s2  }
0x8f: {  	_ = 	snop  }
0x90: {  	s2 =	sld [smem:$0x3FD0];
	_ =	sdelay $0x1  }
0x91: {  	s15 =	sld [smem:$0x3FC9]  }
0x92: {  	s5 =	simm.s32 $0xA;
	s6 =	simm.s32 $0x10;
	s4 =	sld [smem:$0x3FC7]  }
0x93: {  	[smem:s6], [sflag:s5] =	dma.local [hbm:s2], $0x1  }
0x94: {  	_ =	swait.eq [sflag:s5], $0x1  }
0x95: {  	[sflag:s5] =	ssyncset.done $0x0  }
0x96: {  	s16 =	sld [smem:$0x10];
	[sflag:s5] =	ssyncadd.s32 $0xFFFFFFFF  }
0x97: {  	s17 =	sld [smem:$0x12];
	(tm) =	ssettm $0x1  }
0x98: {  	s18 =	sld [smem:$0x3FFB];
	_ =	sdelay $0x3  }
0x99: {  	_ =	strace s18  }
0x9a: {  	s6 =	sld [smem:$0x3FFC];
	_ =	sdelay $0x3  }
0x9b: {  	_ =	strace s6  }
0x9c: {  	s6 =	sld [smem:$0x3FFD];
	_ =	sdelay $0x3  }
0x9d: {  	_ =	strace s6  }
0x9e: {  	_ =	strace $0x8FFFFFFF  }
0x9f: {  	s19 =	sld [smem:$0x3FDB];
	_ =	sdelay $0x1  }
0xa0: {  	s7 =	simm.s32 $_scs_section_size  }
0xa1: {  	s8 =	simm.s32 $_size__tile_overlayer_lowered;
	s9 =	simm.s32 $_tile_overlayer_lowered  }
0xa2: {  	s22 =	simm.s32 $0x1BFF;
	s21 =	sshll.u32 s9, $0x1;
	s6 =	sadd.s32 s7, s19  }
0xa3: {  	s10 =	simm.s32 $0x0;
	s20 =	sshll.u32 s8, $0x1;
	s8 =	sadd.s32 s21, s6  }
0xa4: {  	[timem:s10], [sflag:s22] =	dma.local [hbm:s8], s20  }
0xa5: {  	_ =	swait.ge [sflag:s22], s20  }
0xa6: {  	s7 =	ssub.s32 $0x0, s20;
	[sflag:s22] =	ssyncset.done $0x0  }
0xa7: {  	[sflag:s22] =	ssyncadd.s32 s7;
	_ =	sdelay $0x1  }
0xa8: {  	s23 =	simm.s32 $0x1B8B  }
0xa9: {  	_ =	swait.ge [sflag:s23], $0x1  }
0xaa: {  	[sflag:s23] =	ssyncset.done $0x0  }
0xab: {  	s25 =	simm.s32 $0x1B8E;
	s24 =	sld [smem:$0x3FFE];
	[sflag:s23] =	ssyncadd.s32 $0xFFFFFFFF  }
0xac: {  	s26 =	simm.s32 $execute0_lowered;
	[smem:$0x3FD2] =	sst s25  }
0xad: {  	s8 =	sshll.u32 s26, $0x1;
	_ =	strace $0x80000049;
	[dreg:$0x1] =	wrdreg $0xFFFFFFFF  }
0xae: {  	s28 =	simm.s32 $_size_execute0_lowered;
	s6 =	sadd.s32 s6, s8;
	[dreg:$0x0] =	wrdreg $0x0  }
0xaf: {  	s8 =	sshll.u32 s28, $0x1;
	[dreg:$0x2] =	wrdreg s6  }
0xb0: {  	[dreg:$0x3] =	wrdreg s8  }
0xb1: {  	[dreg:$0x4] =	wrdreg $0xC0  }
0xb2: {  	_ =	task [dreg:s10], $0x5FFFF  }
0xb3: {  	[dreg:$0x1] =	wrdreg $0xFFFFFFFF  }
0xb4: {  	[dreg:$0x0] =	wrdreg $0x60  }
0xb5: {  	[dreg:$0x2] =	wrdreg s15  }
0xb6: {  	[dreg:$0x3] =	wrdreg s4  }
0xb7: {  	[dreg:$0x4] =	wrdreg s24  }
0xb8: {  	[dreg:$0x5] =	wrdreg s17  }
0xb9: {  	[dreg:$0x6] =	wrdreg s16  }
0xba: {  	[dreg:$0x7] =	wrdreg $0x9  }
0xbb: {  	_ =	task.clear_ibuf [dreg:s10], $0x8FFFF;
	_ =	strace $0x90000049  }
0xbc: {  	s29 =	simm.s32 $0x9;
	_ =	strace $0x8000004B  }
0xbd: {  	_ =	swait.ge [sflag:s29], $0x1  }
0xbe: {  	[sflag:s29] =	ssyncadd.s32 $0xFFFFFFFF  }
0xbf: {  	_ =	strace $0x9000004B  }
0xc0: {  	_ =	sfence  }
0xc1: {  	s30 =	sld [smem:$0x0];
	_ =	sdelay $0x2  }
0xc2: {  	s31 =	sshll.u32 s1, $0xD;
	s1 =	sshrl.u32 s1, $0x2  }
0xc3: {  	s3 =	sand.u32 $0x4000, s31;
	s1 =	sadd.s32 s1, s30  }
0xc4: {  	s0 =	sor.u32 s3, s0;
	s1 =	sshll.u32 s1, $0x11  }
0xc5: {  	s0 =	sor.u32 s1, s0  }
0xc6: {  	s0 =	sadd.s32 $0x8F2B, s0  }
0xc7: {  	[sflag:s0] =	ssyncadd.remote.s32 $0x1  }
0xc8: {  	_ =	sfence.sel $0xFFFF  }
0xc9: {  	[dreg:$0x0] =	wrdreg $0xFFFFFFFF;
	(pc) =	sbr.abs _section_cstart, $3  }
0xca: {  	[dreg:$0x1] =	wrdreg $0xFFFFFFFF  }
0xcb: {  	_ =	task.clear_ibuf [dreg:s10], $0x2FFFF;
	_ =	strace $0x9FFFFFFF  }
0xcc: {  	(tm) =	ssettm $0x7FFFFFFF  }
0xcd: {  	_ =	shalt  }
tec
execute0_lowered:
.L_overlay_start_1:
0x0: {  	(tag) =	ssettag $0x1  }
0x1: {  	s0 =	rddreg [dreg:$0x0]  }
0x2: {  	s9 =	rddreg [dreg:$0x1]  }
0x3: {  	s6 =	rddreg [dreg:$0x2]  }
0x4: {  	s3 =	rddreg [dreg:$0x3]  }
0x5: {  	s1 =	srdreg.scid;
	s8 =	rddreg [dreg:$0x4]  }
0x6: {  	s2 =	stileid.u32;
	s4 =	simm.s32 $0x0;
	s12 =	simm.s32 $0x8080  }
0x7: {  	s13 =	simm.s32 $0x80;
	s14 =	simm.s32 $0x1;
	s15 =	simm.s32 $0x4080  }
0x8: {  	s16 =	simm.s32 $0x0;
	s7 =	sand.u32 $0x1, s1;
	s1 =	rddreg [dreg:$0x5]  }
0x9: {  	s5 =	sshll.u32 s2, $0x8;
	[smem:$0x7FF] =	sst s4;
	s10 =	sshll.u32 s7, $0x7  }
.Ltmp0:
0xa: {  	s7 =	ssub.s32 $0x2, s7;
	s5 =	sor.u32 s10, s5;
	(pc) =	sbr.rel .LBB2_1-.Ltmp0, $4  }
0xb: {  	_ =	strace $0x8000004A;
	s11 =	sshrl.u32 s7, $0x1;
	s10 =	sshrl.u32 s5, $0x3  }
0xc: {  	s30 =	ssub.s32 s7, s11;
	s7 =	sadd.s32 $0x80, s5;
	s31 =	sshll.u32 s5, $0x4  }
0xd: {  	s11 =	simm.s32 $0x2;
	s6 =	sadd.s32 s10, s6;
	s8 =	sadd.s32 s8, s31  }
0xe: {  	vm0 =	vmmov $0x1;
	s9 =	sadd.s32 s9, s31;
	s10 =	smax.u32 s30, $0x1;
	s6 =	sadd.s32 $0xC00, s6  }
.LBB2_7:
0xf: {  	[tilespmem:s13], [sflag:$0x2] =	stream.linear.gather [hbm4b:s9+s4], $0x4000, $0x38;
	[tilespmem:$0x8100] =	vst v63  }
0x10: {  	_ =	swait.ge [sflag:s11], $0x4000  }
0x11: {  	[sflag:s11] =	ssyncset.done $0x0  }
0x12: {  	[sflag:s11] =	ssyncadd.s32 $0xFFFFC000  }
.LBB2_8:
0x13: {  	[hbm4b:s8+s4] =	stream.linear.scatter [tilespmem:s13], [sflag:$0x2], $0x4000, $0x38;
	[tilespmem:$0x8100] =	vst v63  }
0x14: {  	_ =	swait.ge [sflag:s11], $0x4000  }
0x15: {  	[sflag:s11] =	ssyncset.done $0x0  }
0x16: {  	[sflag:s11] =	ssyncadd.s32 $0xFFFFC000  }
.LBB2_9:
0x17: {  	s16 =	sadd.s32 $0x1, s16  }
0x18: {  	p0 =	sne.s32 s16, s10  }
.Ltmp1:
0x19: {  	_ = 	snop;
	(pc) =	sbr.rel @!p0 .LBB2_10-.Ltmp1, $1  }
0x1a: {  	_ =	sdelay $0x3  }
.LBB2_1:
0x1b: {  	[tilespmem:s4], [sflag:$0x2] =	stream.linear.gather [hbm4b:s6+s4], $0x80, $0x38;
	[tilespmem:$0x8100] =	vst v63  }
0x1c: {  	_ =	swait.ge [sflag:s11], $0x80  }
0x1d: {  	[sflag:s11] =	ssyncset.done $0x0  }
0x1e: {  	[sflag:s11] =	ssyncadd.s32 $0xFFFFFF80  }
0x1f: {  	[tilespmem:s12], [sflag:$0x2] =	stream.linear.gather [hbm4b:s3+s4], $0x80, $0x38;
	[tilespmem:$0x8100] =	vst v63  }
0x20: {  	_ =	swait.ge [sflag:s11], $0x80  }
0x21: {  	[sflag:s11] =	ssyncset.done $0x0  }
0x22: {  	[sflag:s11] =	ssyncadd.s32 $0xFFFFFF80  }
0x23: {  	v0 =	vld [tilespmem:$0x8080];
	_ =	sdelay $0x4  }
0x24: {  	v0 =	vnsel vm0, $0x80000000, v0  }
0x25: {  	v0 =	vxor.u32 $0x80000000, v0  }
0x26: {  	(xrf0) =	vmax.scan.msk.u32 $0xffff, v0;
	_ =	sdelay $0x5  }
0x27: {  	v0, _, _ =	vpop (xrf0)  }
0x28: {  	(v2sf) =	vpush v0, $0xF;
	_ =	sdelay $0xe  }
0x29: {  	s17 =	spop (v2sf)  }
0x2a: {  	s17 =	sxor.u32 $0x80000000, s17  }
0x2b: {  	p1 =	sle.s32 s7, s17  }
.Ltmp2:
0x2c: {  	_ = 	snop;
	(pc) =	sbr.rel @p1 .LBB2_6-.Ltmp2, $2  }
0x2d: {  	_ =	sdelay $0x2  }
0x2e: {  	p0 =	slt.s32 s5, s17  }
.Ltmp3:
0x2f: {  	(pc) =	sbr.rel @!p0 .LBB2_7-.Ltmp3, $1  }
0x30: {  	_ =	sdelay $0x3  }
0x31: {  	v0 =	vld [tilespmem:$0x0]  }
0x32: {  	v1 =	vld [tilespmem:$0x10]  }
0x33: {  	v2 =	vld [tilespmem:$0x20]  }
0x34: {  	v3 =	vld [tilespmem:$0x30]  }
0x35: {  	v4 =	vld [tilespmem:$0x40]  }
0x36: {  	v5 =	vld [tilespmem:$0x50];
	vm1 =	vgt.s32 v0, $0x0  }
0x37: {  	v6 =	vld [tilespmem:$0x60];
	v0 =	vnsel vm1, $0x0, v0;
	vm1 =	vgt.s32 v1, $0x0  }
0x38: {  	[tilespmem:$0x0] =	vst v0;
	v0 =	vnsel vm1, $0x0, v1;
	vm1 =	vgt.s32 v2, $0x0;
	v1 =	vld [tilespmem:$0x70]  }
0x39: {  	[tilespmem:$0x10] =	vst v0;
	v0 =	vnsel vm1, $0x0, v2;
	vm1 =	vgt.s32 v3, $0x0  }
0x3a: {  	[tilespmem:$0x20] =	vst v0;
	v0 =	vnsel vm1, $0x0, v3;
	vm1 =	vgt.s32 v4, $0x0  }
0x3b: {  	[tilespmem:$0x30] =	vst v0;
	v0 =	vnsel vm1, $0x0, v4;
	vm1 =	vgt.s32 v5, $0x0  }
0x3c: {  	[tilespmem:$0x40] =	vst v0;
	v0 =	vnsel vm1, $0x0, v5;
	vm1 =	vgt.s32 v6, $0x0  }
0x3d: {  	[tilespmem:$0x50] =	vst v0;
	v0 =	vnsel vm1, $0x0, v6;
	vm1 =	vgt.s32 v1, $0x0  }
0x3e: {  	[tilespmem:$0x60] =	vst v0;
	v0 =	vnsel vm1, $0x0, v1  }
0x3f: {  	s18 =	simm.s32 $0x0;
	[tilespmem:$0x70] =	vst v0  }
0x40: {  	[tilespmem:s13], [sflag:$0x1] =	stream.indirect.gather [hbm4b:s0+s13], $0x80, s18, s13, $0xb8;
	[tilespmem:$0x8100] =	vst v63  }
0x41: {  	_ =	swait.ge [sflag:s14], $0x4000  }
0x42: {  	[sflag:s14] =	ssyncset.done $0x0  }
0x43: {  	[sflag:s14] =	ssyncadd.s32 $0xFFFFC000  }
0x44: {  	[tilespmem:s15], [sflag:$0x2] =	stream.linear.gather [hbm4b:s9+s18], $0x4000, $0x38;
	[tilespmem:$0x8100] =	vst v63  }
0x45: {  	_ =	swait.ge [sflag:s11], $0x4000  }
0x46: {  	[sflag:s11] =	ssyncset.done $0x0  }
0x47: {  	s18 =	simm.s32 @!p0 $0x0;
	[sflag:s11] =	ssyncadd.s32 $0xFFFFC000  }
0x48: {  	v5 =	vld @!p0 [tilespmem:s18+$0x40F0]  }
0x49: {  	v4 =	vld @!p0 [tilespmem:s18+$0x4080]  }
0x4a: {  	v2 =	vld @!p0 [tilespmem:s18+$0x4090]  }
0x4b: {  	v0 =	vld @!p0 [tilespmem:s18+$0x40A0]  }
0x4c: {  	v1 =	vld @!p0 [tilespmem:s18+$0x40B0];
	p0 =	por p0, p0  }
0x4d: {  	s19 =	simm.s32 $0x200;
	s20 =	sadd.s32 $0x1, s5;
	v3 =	vld @!p0 [tilespmem:s18+$0x40C0];
	[tilespmem:s18+$0xF0] =	vst @!p0 v5  }
.LBB2_4:
0x4e: {  	p1 =	slt.s32 s20, s17;
	[tilespmem:s18+$0x80] =	vst @!p0 v4;
	v5 =	vld @!p0 [tilespmem:s18+$0x40D0];
	s21 =	smov.u32 s19;
	s19 =	sadd.s32 $0x200, s19  }
0x4f: {  	s21 =	sshra.s32 @!p1 s21, $0x2;
	p2 =	sne.s32 s19, $0x10000;
	[tilespmem:s18+$0x90] =	vst @!p0 v2;
	v6 =	vld @!p0 [tilespmem:s18+$0x40E0]  }
0x50: {  	v7 =	vld @!p1 [tilespmem:s21+$0x40F0];
	[tilespmem:s18+$0xA0] =	vst @!p0 v0  }
.Ltmp4:
0x51: {  	v4 =	vld @!p1 [tilespmem:s21+$0x4080];
	[tilespmem:s18+$0xB0] =	vst @!p0 v1;
	(pc) =	sbr.rel @p2 .LBB2_4-.Ltmp4, $4  }
0x52: {  	v2 =	vld @!p1 [tilespmem:s21+$0x4090];
	[tilespmem:s18+$0xC0] =	vst @!p0 v3  }
0x53: {  	v0 =	vld @!p1 [tilespmem:s21+$0x40A0];
	[tilespmem:s18+$0xD0] =	vst @!p0 v5  }
0x54: {  	v1 =	vld @!p1 [tilespmem:s21+$0x40B0];
	[tilespmem:s18+$0xE0] =	vst @!p0 v6;
	s18 =	smov.u32 s21;
	p0 =	por p1, p1  }
0x55: {  	s20 =	sadd.s32 $0x1, s20;
	v3 =	vld @!p0 [tilespmem:s18+$0x40C0];
	[tilespmem:s18+$0xF0] =	vst @!p0 v7  }
0x56: {  	[tilespmem:s18+$0x80] =	vst @!p0 v4;
	v4 =	vld @!p0 [tilespmem:s18+$0x40D0]  }
0x57: {  	[tilespmem:s18+$0x90] =	vst @!p0 v2;
	v2 =	vld @!p0 [tilespmem:s18+$0x40E0]  }
.Ltmp5:
0x58: {  	[tilespmem:s18+$0xA0] =	vst @!p0 v0;
	(pc) =	sbr.rel .LBB2_8-.Ltmp5, $4  }
0x59: {  	[tilespmem:s18+$0xB0] =	vst @!p0 v1  }
0x5a: {  	[tilespmem:s18+$0xC0] =	vst @!p0 v3  }
0x5b: {  	[tilespmem:s18+$0xD0] =	vst @!p0 v4  }
0x5c: {  	[tilespmem:s18+$0xE0] =	vst @!p0 v2  }
.LBB2_6:
0x5d: {  	[tilespmem:s13], [sflag:$0x1] =	stream.indirect.gather [hbm4b:s0+s13], $0x80, s4, s13, $0xb8;
	[tilespmem:$0x8100] =	vst v63  }
0x5e: {  	_ =	swait.ge [sflag:s14], $0x4000  }
0x5f: {  	[sflag:s14] =	ssyncset.done $0x0  }
0x60: {  	[sflag:s14] =	ssyncadd.s32 $0xFFFFC000  }
0x61: {  	[hbm4b:s8+s4] =	stream.linear.scatter [tilespmem:s13], [sflag:$0x2], $0x4000, $0x38;
	[tilespmem:$0x8100] =	vst v63  }
.Ltmp6:
0x62: {  	_ = 	snop;
	(pc) =	sbr.rel @p0 .LBB2_9-.Ltmp6, $4  }
.Ltmp7:
0x63: {  	_ = 	snop;
	(pc) =	sbr.rel @!p0 .LBB2_7-.Ltmp7, $4  }
0x64: {  	_ =	swait.ge [sflag:s11], $0x4000  }
0x65: {  	[sflag:s11] =	ssyncset.done $0x0  }
0x66: {  	[sflag:s11] =	ssyncadd.s32 $0xFFFFC000  }
0x67: {  	_ = 	snop  }
.LBB2_10:
0x68: {  	_ =	sfence.sel $0x180000  }
0x69: {  	[bflag:$0x0] =	sbarrier.arrive $0xFFFF  }
0x6a: {  	p0 =	sne.s32 s2, $0x0;
	_ =	strace $0x9000004A  }
0x6b: {  	s0 =	sadd.s32 @!p0 $0x100000, s1;
	[bflag:$0x2] =	sbarrier.arrive $0xFFFF  }
0x6c: {  	[sflag:s0] =	ssyncadd.tile.s32 @!p0 $0x1;
	_ =	shalt  }
.Lfunc_end2:
_tile_overlayer_lowered:
.L_overlay_start_2:
0x6d: {  	(tag) =	ssettag $0x2  }
0x6e: {  	s0 =	rddreg [dreg:$0x0];
	s2 =	stileid.u32  }
0x6f: {  	s1 =	rddreg [dreg:$0x1];
	p0 =	sne.s32 s2, $0x0  }
0x70: {  	s3 =	rddreg [dreg:$0x2];
	[bflag:$0x3] =	sbarrier.arrive $0xFFFF;
	s2 =	simm.s32 @!p0 $0x1C02  }
0x71: {  	[timem:s3], [sflag:s2] =	dma.local @!p0 [hbm:s0], s1  }
0x72: {  	s0 =	simm.s32 @!p0 $0x2  }
0x73: {  	_ =	swait.ge @!p0 [sflag:s0], s1  }
0x74: {  	s1 =	ssub.s32 @!p0 $0x0, s1;
	[sflag:s0] =	ssyncset.done @!p0 $0x0  }
0x75: {  	[sflag:s0] =	ssyncadd.s32 @!p0 s1  }
0x76: {  	[bflag:$0x3] =	sbarrier.arrive $0xFFFF  }
0x77: {  	_ =	shalt  }

</sc_bundles>
